<compile_context>
chip_gen: v7x
topology: tpu7x:2x2x1
jax: 0.10.2.dev20260603
libtpu: 0.0.44.dev20260713+nightly
codegen_flags: <defaults>
</compile_context>

<pallas_src>
import functools

import jax
import jax.numpy as jnp
from jax import lax
from jax.experimental import pallas as pl
from jax.experimental.pallas import tpu as pltpu
from jax.experimental.pallas import tpu_sc as plsc

D = 128
L = 200
LANES = 16
GROUPS = D // LANES
NBUF = 2
C = 200
SPLITS = (40, 32, 32, 32, 32, 32)


@functools.lru_cache(maxsize=None)
def _build(B, V):
    NW = 32
    P = (B * L) // NW
    NCH = P // C
    assert NCH % NBUF == 0 and P % C == 0 and L == C

    mesh = plsc.VectorSubcoreMesh(core_axis_name="c", subcore_axis_name="s")

    @functools.partial(
        pl.kernel,
        mesh=mesh,
        out_type=jax.ShapeDtypeStruct((B * L, D), jnp.float32),
        scratch_types=[
            pltpu.VMEM((P,), jnp.int32),
            pltpu.VMEM((L, D), jnp.float32),
        ]
        + [pltpu.VMEM((C, D), jnp.float32) for _ in range(NBUF)]
        + [pltpu.SemaphoreType.DMA for _ in range(2 * NBUF + 2)],
    )
    def emb_pe(x_hbm, table_hbm, pe_hbm, out_hbm, idx_v, pe_v, *rest):
        bufs = rest[:NBUF]
        gsems = rest[NBUF:2 * NBUF]
        ssems = rest[2 * NBUF:3 * NBUF]
        isem, psem = rest[3 * NBUF], rest[3 * NBUF + 1]

        wid = lax.axis_index("s") * 2 + lax.axis_index("c")
        p0 = wid * P
        idx_cp = pltpu.make_async_copy(x_hbm.at[pl.ds(p0, P)], idx_v, isem)
        pe_cp = pltpu.make_async_copy(pe_hbm, pe_v, psem)
        idx_cp.start()
        pe_cp.start()
        idx_cp.wait()

        def gather(j, b):
            return pltpu.make_async_copy(
                table_hbm.at[idx_v.at[pl.ds(j * C, C)]], bufs[b], gsems[b])

        offs = [sum(SPLITS[:k]) for k in range(len(SPLITS))]

        def store_piece(j, b, h):
            off, n = offs[h], SPLITS[h]
            return pltpu.make_async_copy(
                bufs[b].at[pl.ds(off, n)],
                out_hbm.at[pl.ds(p0 + j * C + off, n)], ssems[b])

        def store_wait(b):
            return pltpu.make_async_copy(
                bufs[b], out_hbm.at[pl.ds(p0, C)], ssems[b])

        for k in range(NBUF - 1):
            gather(k, k).start()
        pe_cp.wait()

        def add_rows(b, lo, hi):
            def add_row(r, c):
                for g in range(GROUPS):
                    sl = pl.ds(g * LANES, LANES)
                    plsc.addupdate(bufs[b].at[r, sl], pe_v[r, sl])
                return c

            lax.fori_loop(lo, hi, add_row, 0)

        def body(j2, carry):
            for b in range(NBUF):
                pb = (b - 1) % NBUF
                j = j2 * NBUF + b

                @pl.when(j > 0)
                def _():
                    store_wait(pb).wait()

                @pl.when(j + NBUF - 1 < NCH)
                def _():
                    gather(j + NBUF - 1, pb).start()

                gather(j, b).wait()
                for h in range(len(SPLITS)):
                    add_rows(b, offs[h], offs[h] + SPLITS[h])
                    store_piece(j, b, h).start()
            return carry

        lax.fori_loop(0, NCH // NBUF, body, 0)
        store_wait((NCH - 1) % NBUF).wait()

    return emb_pe


def kernel(x, table, pe):
    B, Lx = x.shape
    xi = x.reshape(-1).astype(jnp.int32)
    pef = pe.reshape(Lx, D)
    out = _build(B, table.shape[0])(xi, table, pef)
    return out.reshape(B, Lx, D)

# --- scband reference (transcript-rebuilt; emitter-appended) ---
"""Pipeline reference for scband-embedding-with-pe-31842887533177 (READ-ONLY COPY).

The authoritative reference and input builder live on the scoring server;
editing this copy changes nothing except your own understanding.
"""

import jax, jax.numpy as jnp
import numpy as np

VOCAB = 100000
EMBED_DIM = 128
BATCH = 4096
SEQ_LEN = 200
MAX_LEN = 200

def _sinusoidal_pe(max_len, d_model):
    position = np.arange(max_len)[:, None].astype(np.float32)
    div_term = np.exp(np.arange(0, d_model, 2).astype(np.float32) * (-np.log(10000.0) / d_model))
    pe = np.zeros((max_len, d_model), dtype=np.float32)
    pe[:, 0::2] = np.sin(position * div_term)
    pe[:, 1::2] = np.cos(position * div_term)
    return jnp.asarray(pe[None, :, :])  # [1, max_len, d_model]

def setup_inputs(seed: int = 0) -> dict:
    key = jax.random.key(seed)
    k_idx, k_tab = jax.random.split(key)
    x = jax.random.randint(k_idx, (BATCH, SEQ_LEN), 0, VOCAB, dtype=jnp.int64 if jax.config.jax_enable_x64 else jnp.int32)
    table = jax.random.normal(k_tab, (VOCAB, EMBED_DIM), dtype=jnp.float32)
    pe = _sinusoidal_pe(MAX_LEN, EMBED_DIM)
    return {"x": x, "table": table, "pe": pe}

def reference(x, table, pe):
    # emb = self.embedding(x)
    emb = jnp.take(table, x, axis=0)  # [B, L, D]
    # return emb + self.pe[:, :x.shape[1], :]
    return emb + pe[:, : x.shape[1], :]

if __name__ == "__main__":
    import jax
    _d = setup_inputs()
    print(jax.jit(kernel)(*tuple(_d.values())))

</pallas_src>

<mosaic_0001>
#map = affine_map<(d0, d1) -> (0)>
#map1 = affine_map<(d0, d1) -> (0, 0)>
module attributes {stable_mosaic.version = 14 : i64} {
  func.func @emb_pe(%arg0: i32, %arg1: i32, %arg2: memref<819200xi32, #tpu.memory_space<hbm>>, %arg3: memref<100000x128xf32, #tpu.memory_space<hbm>>, %arg4: memref<200x128xf32, #tpu.memory_space<hbm>>, %arg5: memref<819200x128xf32, #tpu.memory_space<hbm>>, %arg6: memref<25600xi32, #tpu.memory_space<vmem>>, %arg7: memref<200x128xf32, #tpu.memory_space<vmem>>, %arg8: memref<200x128xf32, #tpu.memory_space<vmem>>, %arg9: memref<200x128xf32, #tpu.memory_space<vmem>>, %arg10: memref<!tpu.dma_semaphore, #tpu.memory_space<semaphore_mem>>, %arg11: memref<!tpu.dma_semaphore, #tpu.memory_space<semaphore_mem>>, %arg12: memref<!tpu.dma_semaphore, #tpu.memory_space<semaphore_mem>>, %arg13: memref<!tpu.dma_semaphore, #tpu.memory_space<semaphore_mem>>, %arg14: memref<!tpu.dma_semaphore, #tpu.memory_space<semaphore_mem>>, %arg15: memref<!tpu.dma_semaphore, #tpu.memory_space<semaphore_mem>>) attributes {dimension_semantics = [#tpu.dimension_semantics<core_parallel>, #tpu.dimension_semantics<subcore_parallel>], iteration_bounds = array<i64: 2, 16>, scalar_prefetch = 0 : i64, scratch_operands = 10 : i64, tpu.core_type = #tpu.core_type<sc_vector_subcore>, window_params = [{transform_indices = #map}, {transform_indices = #map1}, {transform_indices = #map1}, {transform_indices = #map1}]} {
    %mul3A = arith.constant 2 : i32
    %mul3A_0 = arith.muli %arg1, %mul3A : i32
    %add3A = arith.addi %mul3A_0, %arg0 : i32
    %mul3A_1 = arith.constant 25600 : i32
    %mul3A_2 = arith.muli %add3A, %mul3A_1 : i32
    %dma_start3A = tpu.memref_slice %arg2[%mul3A_2] : memref<819200xi32, #tpu.memory_space<hbm>> -> memref<25600xi32, #tpu.memory_space<hbm>>
    %dma_start3A_3 = tpu.memref_slice %arg2[%mul3A_2] : memref<819200xi32, #tpu.memory_space<hbm>> -> memref<25600xi32, #tpu.memory_space<hbm>>
    tpu.enqueue_dma source(%dma_start3A_3 : memref<25600xi32, #tpu.memory_space<hbm>>) target(%arg6 : memref<25600xi32, #tpu.memory_space<vmem>>) target_semaphore(%arg14 : memref<!tpu.dma_semaphore, #tpu.memory_space<semaphore_mem>>)
    tpu.enqueue_dma source(%arg4 : memref<200x128xf32, #tpu.memory_space<hbm>>) target(%arg7 : memref<200x128xf32, #tpu.memory_space<vmem>>) target_semaphore(%arg15 : memref<!tpu.dma_semaphore, #tpu.memory_space<semaphore_mem>>)
    %dma_wait3A = tpu.memref_slice %arg2[%mul3A_2] : memref<819200xi32, #tpu.memory_space<hbm>> -> memref<25600xi32, #tpu.memory_space<hbm>>
    %dma_wait3A_4 = tpu.memref_slice %arg2[%mul3A_2] : memref<819200xi32, #tpu.memory_space<hbm>> -> memref<25600xi32, #tpu.memory_space<hbm>>
    tpu.wait_dma2 semaphore(%arg14 : memref<!tpu.dma_semaphore, #tpu.memory_space<semaphore_mem>>) src(%dma_wait3A_4 : memref<25600xi32, #tpu.memory_space<hbm>>) dst(%arg6 : memref<25600xi32, #tpu.memory_space<vmem>>)
    %dma_start3A_5 = arith.constant 0 : i32
    %dma_start3A_6 = tpu.memref_slice %arg6[%dma_start3A_5] : memref<25600xi32, #tpu.memory_space<vmem>> -> memref<200xi32, #tpu.memory_space<vmem>>
    %dma_start3A_7 = arith.constant 0 : i32
    %dma_start3A_8 = arith.constant 0 : i32
    %dma_start3A_9 = tpu.memref_slice %arg3[%dma_start3A_7, %dma_start3A_8] : memref<100000x128xf32, #tpu.memory_space<hbm>> -> memref<100000x128xf32, #tpu.memory_space<hbm>>
    tpu.enqueue_indirect_dma source(%dma_start3A_9 : memref<100000x128xf32, #tpu.memory_space<hbm>>) target(%arg8 : memref<200x128xf32, #tpu.memory_space<vmem>>) offsets(%dma_start3A_6 : memref<200xi32, #tpu.memory_space<vmem>>) semaphore(%arg10 : memref<!tpu.dma_semaphore, #tpu.memory_space<semaphore_mem>>)
    tpu.wait_dma2 semaphore(%arg15 : memref<!tpu.dma_semaphore, #tpu.memory_space<semaphore_mem>>) src(%arg4 : memref<200x128xf32, #tpu.memory_space<hbm>>) dst(%arg7 : memref<200x128xf32, #tpu.memory_space<vmem>>)
    %scan3A = arith.constant 0 : i32
    %scan3A_10 = arith.constant 0 : i32
    %scan3A_11 = arith.constant 64 : i32
    %scan3A_12 = arith.addi %scan3A_10, %scan3A_11 : i32
    %scan3A_13 = arith.constant 1 : i32
    scf.for %scan3A_19 = %scan3A_10 to %scan3A_12 step %scan3A_13  : i32 {
      %mul3A_20 = arith.constant 2 : i32
      %mul3A_21 = arith.muli %scan3A_19, %mul3A_20 : i32
      %add3A_22 = arith.constant 0 : i32
      %add3A_23 = arith.addi %mul3A_21, %add3A_22 : i32
      %gt3A = arith.constant 0 : i32
      %gt3A_24 = arith.cmpi sgt, %add3A_23, %gt3A : i32
      %convert_element_type3A = arith.extui %gt3A_24 : i1 to i32
      %cond3A = arith.constant 0 : i32
      %cond3A_25 = arith.cmpi ne, %convert_element_type3A, %cond3A : i32
      scf.if %cond3A_25 {
        %dma_wait3A_315 = arith.constant 0 : i32
        %dma_wait3A_316 = tpu.memref_slice %arg5[%mul3A_2, %dma_wait3A_315] : memref<819200x128xf32, #tpu.memory_space<hbm>> -> memref<200x128xf32, #tpu.memory_space<hbm>>
        %dma_wait3A_317 = arith.constant 0 : i32
        %dma_wait3A_318 = tpu.memref_slice %arg5[%mul3A_2, %dma_wait3A_317] : memref<819200x128xf32, #tpu.memory_space<hbm>> -> memref<200x128xf32, #tpu.memory_space<hbm>>
        tpu.wait_dma2 semaphore(%arg13 : memref<!tpu.dma_semaphore, #tpu.memory_space<semaphore_mem>>) src(%arg9 : memref<200x128xf32, #tpu.memory_space<vmem>>) dst(%dma_wait3A_318 : memref<200x128xf32, #tpu.memory_space<hbm>>)
      } else {
      }
      %add3A_26 = arith.constant 2 : i32
      %add3A_27 = arith.addi %add3A_23, %add3A_26 : i32
      %sub3A = arith.constant 1 : i32
      %sub3A_28 = arith.subi %add3A_27, %sub3A : i32
      %lt3A = arith.constant 128 : i32
      %lt3A_29 = arith.cmpi slt, %sub3A_28, %lt3A : i32
      %convert_element_type3A_30 = arith.extui %lt3A_29 : i1 to i32
      %cond3A_31 = arith.constant 0 : i32
      %cond3A_32 = arith.cmpi ne, %convert_element_type3A_30, %cond3A_31 : i32
      scf.if %cond3A_32 {
        %add3A_315 = arith.constant 2 : i32
        %add3A_316 = arith.addi %add3A_23, %add3A_315 : i32
        %sub3A_317 = arith.constant 1 : i32
        %sub3A_318 = arith.subi %add3A_316, %sub3A_317 : i32
        %mul3A_319 = arith.constant 200 : i32
        %mul3A_320 = arith.muli %sub3A_318, %mul3A_319 : i32
        %dma_start3A_321 = tpu.memref_slice %arg6[%mul3A_320] : memref<25600xi32, #tpu.memory_space<vmem>> -> memref<200xi32, #tpu.memory_space<vmem>>
        %dma_start3A_322 = arith.constant 0 : i32
        %dma_start3A_323 = arith.constant 0 : i32
        %dma_start3A_324 = tpu.memref_slice %arg3[%dma_start3A_322, %dma_start3A_323] : memref<100000x128xf32, #tpu.memory_space<hbm>> -> memref<100000x128xf32, #tpu.memory_space<hbm>>
        tpu.enqueue_indirect_dma source(%dma_start3A_324 : memref<100000x128xf32, #tpu.memory_space<hbm>>) target(%arg9 : memref<200x128xf32, #tpu.memory_space<vmem>>) offsets(%dma_start3A_321 : memref<200xi32, #tpu.memory_space<vmem>>) semaphore(%arg11 : memref<!tpu.dma_semaphore, #tpu.memory_space<semaphore_mem>>)
      } else {
      }
      %mul3A_33 = arith.constant 200 : i32
      %mul3A_34 = arith.muli %add3A_23, %mul3A_33 : i32
      %dma_wait3A_35 = tpu.memref_slice %arg6[%mul3A_34] : memref<25600xi32, #tpu.memory_space<vmem>> -> memref<200xi32, #tpu.memory_space<vmem>>
      %dma_wait3A_36 = arith.constant 0 : i32
      %dma_wait3A_37 = arith.constant 0 : i32
      %dma_wait3A_38 = tpu.memref_slice %arg3[%dma_wait3A_36, %dma_wait3A_37] : memref<100000x128xf32, #tpu.memory_space<hbm>> -> memref<100000x128xf32, #tpu.memory_space<hbm>>
      tpu.wait_indirect_dma semaphore(%arg10 : memref<!tpu.dma_semaphore, #tpu.memory_space<semaphore_mem>>) src(%dma_wait3A_38 : memref<100000x128xf32, #tpu.memory_space<hbm>>) dst(%arg8 : memref<200x128xf32, #tpu.memory_space<vmem>>)
      %scan3A_39 = arith.constant 0 : i32
      %scan3A_40 = arith.constant 0 : i32
      %scan3A_41 = arith.constant 40 : i32
      %scan3A_42 = arith.addi %scan3A_40, %scan3A_41 : i32
      %scan3A_43 = arith.constant 1 : i32
      scf.for %scan3A_315 = %scan3A_40 to %scan3A_42 step %scan3A_43  : i32 {
        %get3A = arith.index_cast %scan3A_315 : i32 to index
        %get3A_316 = arith.constant 0 : index
        %get3A_317 = tpu.vector_load %arg7[%get3A, %get3A_316] {strides = array<i32>} : memref<200x128xf32, #tpu.memory_space<vmem>>, vector<1x16xf32>,
        %get3A_318 = vector.shape_cast %get3A_317 : vector<1x16xf32> to vector<16xf32>
        %swap3A = arith.index_cast %scan3A_315 : i32 to index
        %swap3A_319 = arith.constant 0 : index
        %swap3A_320 = tpu.vector_load %arg8[%swap3A, %swap3A_319] {strides = array<i32>} : memref<200x128xf32, #tpu.memory_space<vmem>>, vector<1x16xf32>,
        %swap3A_321 = vector.shape_cast %swap3A_320 : vector<1x16xf32> to vector<16xf32>
        %swap3A_322 = vector.shape_cast %get3A_318 : vector<16xf32> to vector<1x16xf32>
        tpu.vector_store %arg8[%swap3A, %swap3A_319], %swap3A_322 {add = true, strides = array<i32>} : memref<200x128xf32, #tpu.memory_space<vmem>>, vector<1x16xf32>,
        %get3A_323 = arith.index_cast %scan3A_315 : i32 to index
        %get3A_324 = arith.constant 16 : index
        %get3A_325 = tpu.vector_load %arg7[%get3A_323, %get3A_324] {strides = array<i32>} : memref<200x128xf32, #tpu.memory_space<vmem>>, vector<1x16xf32>,
        %get3A_326 = vector.shape_cast %get3A_325 : vector<1x16xf32> to vector<16xf32>
        %swap3A_327 = arith.index_cast %scan3A_315 : i32 to index
        %swap3A_328 = arith.constant 16 : index
        %swap3A_329 = tpu.vector_load %arg8[%swap3A_327, %swap3A_328] {strides = array<i32>} : memref<200x128xf32, #tpu.memory_space<vmem>>, vector<1x16xf32>,
        %swap3A_330 = vector.shape_cast %swap3A_329 : vector<1x16xf32> to vector<16xf32>
        %swap3A_331 = vector.shape_cast %get3A_326 : vector<16xf32> to vector<1x16xf32>
        tpu.vector_store %arg8[%swap3A_327, %swap3A_328], %swap3A_331 {add = true, strides = array<i32>} : memref<200x128xf32, #tpu.memory_space<vmem>>, vector<1x16xf32>,
        %get3A_332 = arith.index_cast %scan3A_315 : i32 to index
        %get3A_333 = arith.constant 32 : index
        %get3A_334 = tpu.vector_load %arg7[%get3A_332, %get3A_333] {strides = array<i32>} : memref<200x128xf32, #tpu.memory_space<vmem>>, vector<1x16xf32>,
        %get3A_335 = vector.shape_cast %get3A_334 : vector<1x16xf32> to vector<16xf32>
        %swap3A_336 = arith.index_cast %scan3A_315 : i32 to index
        %swap3A_337 = arith.constant 32 : index
        %swap3A_338 = tpu.vector_load %arg8[%swap3A_336, %swap3A_337] {strides = array<i32>} : memref<200x128xf32, #tpu.memory_space<vmem>>, vector<1x16xf32>,
        %swap3A_339 = vector.shape_cast %swap3A_338 : vector<1x16xf32> to vector<16xf32>
        %swap3A_340 = vector.shape_cast %get3A_335 : vector<16xf32> to vector<1x16xf32>
        tpu.vector_store %arg8[%swap3A_336, %swap3A_337], %swap3A_340 {add = true, strides = array<i32>} : memref<200x128xf32, #tpu.memory_space<vmem>>, vector<1x16xf32>,
        %get3A_341 = arith.index_cast %scan3A_315 : i32 to index
        %get3A_342 = arith.constant 48 : index
        %get3A_343 = tpu.vector_load %arg7[%get3A_341, %get3A_342] {strides = array<i32>} : memref<200x128xf32, #tpu.memory_space<vmem>>, vector<1x16xf32>,
        %get3A_344 = vector.shape_cast %get3A_343 : vector<1x16xf32> to vector<16xf32>
        %swap3A_345 = arith.index_cast %scan3A_315 : i32 to index
        %swap3A_346 = arith.constant 48 : index
        %swap3A_347 = tpu.vector_load %arg8[%swap3A_345, %swap3A_346] {strides = array<i32>} : memref<200x128xf32, #tpu.memory_space<vmem>>, vector<1x16xf32>,
        %swap3A_348 = vector.shape_cast %swap3A_347 : vector<1x16xf32> to vector<16xf32>
        %swap3A_349 = vector.shape_cast %get3A_344 : vector<16xf32> to vector<1x16xf32>
        tpu.vector_store %arg8[%swap3A_345, %swap3A_346], %swap3A_349 {add = true, strides = array<i32>} : memref<200x128xf32, #tpu.memory_space<vmem>>, vector<1x16xf32>,
        %get3A_350 = arith.index_cast %scan3A_315 : i32 to index
        %get3A_351 = arith.constant 64 : index
        %get3A_352 = tpu.vector_load %arg7[%get3A_350, %get3A_351] {strides = array<i32>} : memref<200x128xf32, #tpu.memory_space<vmem>>, vector<1x16xf32>,
        %get3A_353 = vector.shape_cast %get3A_352 : vector<1x16xf32> to vector<16xf32>
        %swap3A_354 = arith.index_cast %scan3A_315 : i32 to index
        %swap3A_355 = arith.constant 64 : index
        %swap3A_356 = tpu.vector_load %arg8[%swap3A_354, %swap3A_355] {strides = array<i32>} : memref<200x128xf32, #tpu.memory_space<vmem>>, vector<1x16xf32>,
        %swap3A_357 = vector.shape_cast %swap3A_356 : vector<1x16xf32> to vector<16xf32>
        %swap3A_358 = vector.shape_cast %get3A_353 : vector<16xf32> to vector<1x16xf32>
        tpu.vector_store %arg8[%swap3A_354, %swap3A_355], %swap3A_358 {add = true, strides = array<i32>} : memref<200x128xf32, #tpu.memory_space<vmem>>, vector<1x16xf32>,
        %get3A_359 = arith.index_cast %scan3A_315 : i32 to index
        %get3A_360 = arith.constant 80 : index
        %get3A_361 = tpu.vector_load %arg7[%get3A_359, %get3A_360] {strides = array<i32>} : memref<200x128xf32, #tpu.memory_space<vmem>>, vector<1x16xf32>,
        %get3A_362 = vector.shape_cast %get3A_361 : vector<1x16xf32> to vector<16xf32>
        %swap3A_363 = arith.index_cast %scan3A_315 : i32 to index
        %swap3A_364 = arith.constant 80 : index
        %swap3A_365 = tpu.vector_load %arg8[%swap3A_363, %swap3A_364] {strides = array<i32>} : memref<200x128xf32, #tpu.memory_space<vmem>>, vector<1x16xf32>,
        %swap3A_366 = vector.shape_cast %swap3A_365 : vector<1x16xf32> to vector<16xf32>
        %swap3A_367 = vector.shape_cast %get3A_362 : vector<16xf32> to vector<1x16xf32>
        tpu.vector_store %arg8[%swap3A_363, %swap3A_364], %swap3A_367 {add = true, strides = array<i32>} : memref<200x128xf32, #tpu.memory_space<vmem>>, vector<1x16xf32>,
        %get3A_368 = arith.index_cast %scan3A_315 : i32 to index
        %get3A_369 = arith.constant 96 : index
        %get3A_370 = tpu.vector_load %arg7[%get3A_368, %get3A_369] {strides = array<i32>} : memref<200x128xf32, #tpu.memory_space<vmem>>, vector<1x16xf32>,
        %get3A_371 = vector.shape_cast %get3A_370 : vector<1x16xf32> to vector<16xf32>
        %swap3A_372 = arith.index_cast %scan3A_315 : i32 to index
        %swap3A_373 = arith.constant 96 : index
        %swap3A_374 = tpu.vector_load %arg8[%swap3A_372, %swap3A_373] {strides = array<i32>} : memref<200x128xf32, #tpu.memory_space<vmem>>, vector<1x16xf32>,
        %swap3A_375 = vector.shape_cast %swap3A_374 : vector<1x16xf32> to vector<16xf32>
        %swap3A_376 = vector.shape_cast %get3A_371 : vector<16xf32> to vector<1x16xf32>
        tpu.vector_store %arg8[%swap3A_372, %swap3A_373], %swap3A_376 {add = true, strides = array<i32>} : memref<200x128xf32, #tpu.memory_space<vmem>>, vector<1x16xf32>,
        %get3A_377 = arith.index_cast %scan3A_315 : i32 to index
        %get3A_378 = arith.constant 112 : index
        %get3A_379 = tpu.vector_load %arg7[%get3A_377, %get3A_378] {strides = array<i32>} : memref<200x128xf32, #tpu.memory_space<vmem>>, vector<1x16xf32>,
        %get3A_380 = vector.shape_cast %get3A_379 : vector<1x16xf32> to vector<16xf32>
        %swap3A_381 = arith.index_cast %scan3A_315 : i32 to index
        %swap3A_382 = arith.constant 112 : index
        %swap3A_383 = tpu.vector_load %arg8[%swap3A_381, %swap3A_382] {strides = array<i32>} : memref<200x128xf32, #tpu.memory_space<vmem>>, vector<1x16xf32>,
        %swap3A_384 = vector.shape_cast %swap3A_383 : vector<1x16xf32> to vector<16xf32>
        %swap3A_385 = vector.shape_cast %get3A_380 : vector<16xf32> to vector<1x16xf32>
        tpu.vector_store %arg8[%swap3A_381, %swap3A_382], %swap3A_385 {add = true, strides = array<i32>} : memref<200x128xf32, #tpu.memory_space<vmem>>, vector<1x16xf32>,
      }
      %scan3A_44 = arith.constant 40 : i32
      %mul3A_45 = arith.constant 200 : i32
      %mul3A_46 = arith.muli %add3A_23, %mul3A_45 : i32
      %add3A_47 = arith.addi %mul3A_2, %mul3A_46 : i32
      %add3A_48 = arith.constant 0 : i32
      %add3A_49 = arith.addi %add3A_47, %add3A_48 : i32
      %dma_start3A_50 = arith.constant 0 : i32
      %dma_start3A_51 = arith.constant 0 : i32
      %dma_start3A_52 = tpu.memref_slice %arg8[%dma_start3A_50, %dma_start3A_51] : memref<200x128xf32, #tpu.memory_space<vmem>> -> memref<40x128xf32, #tpu.memory_space<vmem>>
      %dma_start3A_53 = arith.constant 0 : i32
      %dma_start3A_54 = tpu.memref_slice %arg5[%add3A_49, %dma_start3A_53] : memref<819200x128xf32, #tpu.memory_space<hbm>> -> memref<40x128xf32, #tpu.memory_space<hbm>>
      %dma_start3A_55 = arith.constant 0 : i32
      %dma_start3A_56 = tpu.memref_slice %arg5[%add3A_49, %dma_start3A_55] : memref<819200x128xf32, #tpu.memory_space<hbm>> -> memref<40x128xf32, #tpu.memory_space<hbm>>
      %dma_start3A_57 = arith.constant 0 : i32
      %dma_start3A_58 = arith.constant 0 : i32
      %dma_start3A_59 = tpu.memref_slice %arg8[%dma_start3A_57, %dma_start3A_58] : memref<200x128xf32, #tpu.memory_space<vmem>> -> memref<40x128xf32, #tpu.memory_space<vmem>>
      tpu.enqueue_dma source(%dma_start3A_59 : memref<40x128xf32, #tpu.memory_space<vmem>>) target(%dma_start3A_56 : memref<40x128xf32, #tpu.memory_space<hbm>>) target_semaphore(%arg12 : memref<!tpu.dma_semaphore, #tpu.memory_space<semaphore_mem>>)
      %scan3A_60 = arith.constant 0 : i32
      %scan3A_61 = arith.constant 40 : i32
      %scan3A_62 = arith.constant 32 : i32
      %scan3A_63 = arith.addi %scan3A_61, %scan3A_62 : i32
      %scan3A_64 = arith.constant 1 : i32
      scf.for %scan3A_315 = %scan3A_61 to %scan3A_63 step %scan3A_64  : i32 {
        %get3A = arith.index_cast %scan3A_315 : i32 to index
        %get3A_316 = arith.constant 0 : index
        %get3A_317 = tpu.vector_load %arg7[%get3A, %get3A_316] {strides = array<i32>} : memref<200x128xf32, #tpu.memory_space<vmem>>, vector<1x16xf32>,
        %get3A_318 = vector.shape_cast %get3A_317 : vector<1x16xf32> to vector<16xf32>
        %swap3A = arith.index_cast %scan3A_315 : i32 to index
        %swap3A_319 = arith.constant 0 : index
        %swap3A_320 = tpu.vector_load %arg8[%swap3A, %swap3A_319] {strides = array<i32>} : memref<200x128xf32, #tpu.memory_space<vmem>>, vector<1x16xf32>,
        %swap3A_321 = vector.shape_cast %swap3A_320 : vector<1x16xf32> to vector<16xf32>
        %swap3A_322 = vector.shape_cast %get3A_318 : vector<16xf32> to vector<1x16xf32>
        tpu.vector_store %arg8[%swap3A, %swap3A_319], %swap3A_322 {add = true, strides = array<i32>} : memref<200x128xf32, #tpu.memory_space<vmem>>, vector<1x16xf32>,
        %get3A_323 = arith.index_cast %scan3A_315 : i32 to index
        %get3A_324 = arith.constant 16 : index
        %get3A_325 = tpu.vector_load %arg7[%get3A_323, %get3A_324] {strides = array<i32>} : memref<200x128xf32, #tpu.memory_space<vmem>>, vector<1x16xf32>,
        %get3A_326 = vector.shape_cast %get3A_325 : vector<1x16xf32> to vector<16xf32>
        %swap3A_327 = arith.index_cast %scan3A_315 : i32 to index
        %swap3A_328 = arith.constant 16 : index
        %swap3A_329 = tpu.vector_load %arg8[%swap3A_327, %swap3A_328] {strides = array<i32>} : memref<200x128xf32, #tpu.memory_space<vmem>>, vector<1x16xf32>,
        %swap3A_330 = vector.shape_cast %swap3A_329 : vector<1x16xf32> to vector<16xf32>
        %swap3A_331 = vector.shape_cast %get3A_326 : vector<16xf32> to vector<1x16xf32>
        tpu.vector_store %arg8[%swap3A_327, %swap3A_328], %swap3A_331 {add = true, strides = array<i32>} : memref<200x128xf32, #tpu.memory_space<vmem>>, vector<1x16xf32>,
        %get3A_332 = arith.index_cast %scan3A_315 : i32 to index
        %get3A_333 = arith.constant 32 : index
        %get3A_334 = tpu.vector_load %arg7[%get3A_332, %get3A_333] {strides = array<i32>} : memref<200x128xf32, #tpu.memory_space<vmem>>, vector<1x16xf32>,
        %get3A_335 = vector.shape_cast %get3A_334 : vector<1x16xf32> to vector<16xf32>
        %swap3A_336 = arith.index_cast %scan3A_315 : i32 to index
        %swap3A_337 = arith.constant 32 : index
        %swap3A_338 = tpu.vector_load %arg8[%swap3A_336, %swap3A_337] {strides = array<i32>} : memref<200x128xf32, #tpu.memory_space<vmem>>, vector<1x16xf32>,
        %swap3A_339 = vector.shape_cast %swap3A_338 : vector<1x16xf32> to vector<16xf32>
        %swap3A_340 = vector.shape_cast %get3A_335 : vector<16xf32> to vector<1x16xf32>
        tpu.vector_store %arg8[%swap3A_336, %swap3A_337], %swap3A_340 {add = true, strides = array<i32>} : memref<200x128xf32, #tpu.memory_space<vmem>>, vector<1x16xf32>,
        %get3A_341 = arith.index_cast %scan3A_315 : i32 to index
        %get3A_342 = arith.constant 48 : index
        %get3A_343 = tpu.vector_load %arg7[%get3A_341, %get3A_342] {strides = array<i32>} : memref<200x128xf32, #tpu.memory_space<vmem>>, vector<1x16xf32>,
        %get3A_344 = vector.shape_cast %get3A_343 : vector<1x16xf32> to vector<16xf32>
        %swap3A_345 = arith.index_cast %scan3A_315 : i32 to index
        %swap3A_346 = arith.constant 48 : index
        %swap3A_347 = tpu.vector_load %arg8[%swap3A_345, %swap3A_346] {strides = array<i32>} : memref<200x128xf32, #tpu.memory_space<vmem>>, vector<1x16xf32>,
        %swap3A_348 = vector.shape_cast %swap3A_347 : vector<1x16xf32> to vector<16xf32>
        %swap3A_349 = vector.shape_cast %get3A_344 : vector<16xf32> to vector<1x16xf32>
        tpu.vector_store %arg8[%swap3A_345, %swap3A_346], %swap3A_349 {add = true, strides = array<i32>} : memref<200x128xf32, #tpu.memory_space<vmem>>, vector<1x16xf32>,
        %get3A_350 = arith.index_cast %scan3A_315 : i32 to index
        %get3A_351 = arith.constant 64 : index
        %get3A_352 = tpu.vector_load %arg7[%get3A_350, %get3A_351] {strides = array<i32>} : memref<200x128xf32, #tpu.memory_space<vmem>>, vector<1x16xf32>,
        %get3A_353 = vector.shape_cast %get3A_352 : vector<1x16xf32> to vector<16xf32>
        %swap3A_354 = arith.index_cast %scan3A_315 : i32 to index
        %swap3A_355 = arith.constant 64 : index
        %swap3A_356 = tpu.vector_load %arg8[%swap3A_354, %swap3A_355] {strides = array<i32>} : memref<200x128xf32, #tpu.memory_space<vmem>>, vector<1x16xf32>,
        %swap3A_357 = vector.shape_cast %swap3A_356 : vector<1x16xf32> to vector<16xf32>
        %swap3A_358 = vector.shape_cast %get3A_353 : vector<16xf32> to vector<1x16xf32>
        tpu.vector_store %arg8[%swap3A_354, %swap3A_355], %swap3A_358 {add = true, strides = array<i32>} : memref<200x128xf32, #tpu.memory_space<vmem>>, vector<1x16xf32>,
        %get3A_359 = arith.index_cast %scan3A_315 : i32 to index
        %get3A_360 = arith.constant 80 : index
        %get3A_361 = tpu.vector_load %arg7[%get3A_359, %get3A_360] {strides = array<i32>} : memref<200x128xf32, #tpu.memory_space<vmem>>, vector<1x16xf32>,
        %get3A_362 = vector.shape_cast %get3A_361 : vector<1x16xf32> to vector<16xf32>
        %swap3A_363 = arith.index_cast %scan3A_315 : i32 to index
        %swap3A_364 = arith.constant 80 : index
        %swap3A_365 = tpu.vector_load %arg8[%swap3A_363, %swap3A_364] {strides = array<i32>} : memref<200x128xf32, #tpu.memory_space<vmem>>, vector<1x16xf32>,
        %swap3A_366 = vector.shape_cast %swap3A_365 : vector<1x16xf32> to vector<16xf32>
        %swap3A_367 = vector.shape_cast %get3A_362 : vector<16xf32> to vector<1x16xf32>
        tpu.vector_store %arg8[%swap3A_363, %swap3A_364], %swap3A_367 {add = true, strides = array<i32>} : memref<200x128xf32, #tpu.memory_space<vmem>>, vector<1x16xf32>,
        %get3A_368 = arith.index_cast %scan3A_315 : i32 to index
        %get3A_369 = arith.constant 96 : index
        %get3A_370 = tpu.vector_load %arg7[%get3A_368, %get3A_369] {strides = array<i32>} : memref<200x128xf32, #tpu.memory_space<vmem>>, vector<1x16xf32>,
        %get3A_371 = vector.shape_cast %get3A_370 : vector<1x16xf32> to vector<16xf32>
        %swap3A_372 = arith.index_cast %scan3A_315 : i32 to index
        %swap3A_373 = arith.constant 96 : index
        %swap3A_374 = tpu.vector_load %arg8[%swap3A_372, %swap3A_373] {strides = array<i32>} : memref<200x128xf32, #tpu.memory_space<vmem>>, vector<1x16xf32>,
        %swap3A_375 = vector.shape_cast %swap3A_374 : vector<1x16xf32> to vector<16xf32>
        %swap3A_376 = vector.shape_cast %get3A_371 : vector<16xf32> to vector<1x16xf32>
        tpu.vector_store %arg8[%swap3A_372, %swap3A_373], %swap3A_376 {add = true, strides = array<i32>} : memref<200x128xf32, #tpu.memory_space<vmem>>, vector<1x16xf32>,
        %get3A_377 = arith.index_cast %scan3A_315 : i32 to index
        %get3A_378 = arith.constant 112 : index
        %get3A_379 = tpu.vector_load %arg7[%get3A_377, %get3A_378] {strides = array<i32>} : memref<200x128xf32, #tpu.memory_space<vmem>>, vector<1x16xf32>,
        %get3A_380 = vector.shape_cast %get3A_379 : vector<1x16xf32> to vector<16xf32>
        %swap3A_381 = arith.index_cast %scan3A_315 : i32 to index
        %swap3A_382 = arith.constant 112 : index
        %swap3A_383 = tpu.vector_load %arg8[%swap3A_381, %swap3A_382] {strides = array<i32>} : memref<200x128xf32, #tpu.memory_space<vmem>>, vector<1x16xf32>,
        %swap3A_384 = vector.shape_cast %swap3A_383 : vector<1x16xf32> to vector<16xf32>
        %swap3A_385 = vector.shape_cast %get3A_380 : vector<16xf32> to vector<1x16xf32>
        tpu.vector_store %arg8[%swap3A_381, %swap3A_382], %swap3A_385 {add = true, strides = array<i32>} : memref<200x128xf32, #tpu.memory_space<vmem>>, vector<1x16xf32>,
      }
      %scan3A_65 = arith.constant 32 : i32
      %mul3A_66 = arith.constant 200 : i32
      %mul3A_67 = arith.muli %add3A_23, %mul3A_66 : i32
      %add3A_68 = arith.addi %mul3A_2, %mul3A_67 : i32
      %add3A_69 = arith.constant 40 : i32
      %add3A_70 = arith.addi %add3A_68, %add3A_69 : i32
      %dma_start3A_71 = arith.constant 40 : i32
      %dma_start3A_72 = arith.constant 0 : i32
      %dma_start3A_73 = tpu.memref_slice %arg8[%dma_start3A_71, %dma_start3A_72] : memref<200x128xf32, #tpu.memory_space<vmem>> -> memref<32x128xf32, #tpu.memory_space<vmem>>
      %dma_start3A_74 = arith.constant 0 : i32
      %dma_start3A_75 = tpu.memref_slice %arg5[%add3A_70, %dma_start3A_74] : memref<819200x128xf32, #tpu.memory_space<hbm>> -> memref<32x128xf32, #tpu.memory_space<hbm>>
      %dma_start3A_76 = arith.constant 0 : i32
      %dma_start3A_77 = tpu.memref_slice %arg5[%add3A_70, %dma_start3A_76] : memref<819200x128xf32, #tpu.memory_space<hbm>> -> memref<32x128xf32, #tpu.memory_space<hbm>>
      %dma_start3A_78 = arith.constant 40 : i32
      %dma_start3A_79 = arith.constant 0 : i32
      %dma_start3A_80 = tpu.memref_slice %arg8[%dma_start3A_78, %dma_start3A_79] : memref<200x128xf32, #tpu.memory_space<vmem>> -> memref<32x128xf32, #tpu.memory_space<vmem>>
      tpu.enqueue_dma source(%dma_start3A_80 : memref<32x128xf32, #tpu.memory_space<vmem>>) target(%dma_start3A_77 : memref<32x128xf32, #tpu.memory_space<hbm>>) target_semaphore(%arg12 : memref<!tpu.dma_semaphore, #tpu.memory_space<semaphore_mem>>)
      %scan3A_81 = arith.constant 0 : i32
      %scan3A_82 = arith.constant 72 : i32
      %scan3A_83 = arith.constant 32 : i32
      %scan3A_84 = arith.addi %scan3A_82, %scan3A_83 : i32
      %scan3A_85 = arith.constant 1 : i32
      scf.for %scan3A_315 = %scan3A_82 to %scan3A_84 step %scan3A_85  : i32 {
        %get3A = arith.index_cast %scan3A_315 : i32 to index
        %get3A_316 = arith.constant 0 : index
        %get3A_317 = tpu.vector_load %arg7[%get3A, %get3A_316] {strides = array<i32>} : memref<200x128xf32, #tpu.memory_space<vmem>>, vector<1x16xf32>,
        %get3A_318 = vector.shape_cast %get3A_317 : vector<1x16xf32> to vector<16xf32>
        %swap3A = arith.index_cast %scan3A_315 : i32 to index
        %swap3A_319 = arith.constant 0 : index
        %swap3A_320 = tpu.vector_load %arg8[%swap3A, %swap3A_319] {strides = array<i32>} : memref<200x128xf32, #tpu.memory_space<vmem>>, vector<1x16xf32>,
        %swap3A_321 = vector.shape_cast %swap3A_320 : vector<1x16xf32> to vector<16xf32>
        %swap3A_322 = vector.shape_cast %get3A_318 : vector<16xf32> to vector<1x16xf32>
        tpu.vector_store %arg8[%swap3A, %swap3A_319], %swap3A_322 {add = true, strides = array<i32>} : memref<200x128xf32, #tpu.memory_space<vmem>>, vector<1x16xf32>,
        %get3A_323 = arith.index_cast %scan3A_315 : i32 to index
        %get3A_324 = arith.constant 16 : index
        %get3A_325 = tpu.vector_load %arg7[%get3A_323, %get3A_324] {strides = array<i32>} : memref<200x128xf32, #tpu.memory_space<vmem>>, vector<1x16xf32>,
        %get3A_326 = vector.shape_cast %get3A_325 : vector<1x16xf32> to vector<16xf32>
        %swap3A_327 = arith.index_cast %scan3A_315 : i32 to index
        %swap3A_328 = arith.constant 16 : index
        %swap3A_329 = tpu.vector_load %arg8[%swap3A_327, %swap3A_328] {strides = array<i32>} : memref<200x128xf32, #tpu.memory_space<vmem>>, vector<1x16xf32>,
        %swap3A_330 = vector.shape_cast %swap3A_329 : vector<1x16xf32> to vector<16xf32>
        %swap3A_331 = vector.shape_cast %get3A_326 : vector<16xf32> to vector<1x16xf32>
        tpu.vector_store %arg8[%swap3A_327, %swap3A_328], %swap3A_331 {add = true, strides = array<i32>} : memref<200x128xf32, #tpu.memory_space<vmem>>, vector<1x16xf32>,
        %get3A_332 = arith.index_cast %scan3A_315 : i32 to index
        %get3A_333 = arith.constant 32 : index
        %get3A_334 = tpu.vector_load %arg7[%get3A_332, %get3A_333] {strides = array<i32>} : memref<200x128xf32, #tpu.memory_space<vmem>>, vector<1x16xf32>,
        %get3A_335 = vector.shape_cast %get3A_334 : vector<1x16xf32> to vector<16xf32>
        %swap3A_336 = arith.index_cast %scan3A_315 : i32 to index
        %swap3A_337 = arith.constant 32 : index
        %swap3A_338 = tpu.vector_load %arg8[%swap3A_336, %swap3A_337] {strides = array<i32>} : memref<200x128xf32, #tpu.memory_space<vmem>>, vector<1x16xf32>,
        %swap3A_339 = vector.shape_cast %swap3A_338 : vector<1x16xf32> to vector<16xf32>
        %swap3A_340 = vector.shape_cast %get3A_335 : vector<16xf32> to vector<1x16xf32>
        tpu.vector_store %arg8[%swap3A_336, %swap3A_337], %swap3A_340 {add = true, strides = array<i32>} : memref<200x128xf32, #tpu.memory_space<vmem>>, vector<1x16xf32>,
        %get3A_341 = arith.index_cast %scan3A_315 : i32 to index
        %get3A_342 = arith.constant 48 : index
        %get3A_343 = tpu.vector_load %arg7[%get3A_341, %get3A_342] {strides = array<i32>} : memref<200x128xf32, #tpu.memory_space<vmem>>, vector<1x16xf32>,
        %get3A_344 = vector.shape_cast %get3A_343 : vector<1x16xf32> to vector<16xf32>
        %swap3A_345 = arith.index_cast %scan3A_315 : i32 to index
        %swap3A_346 = arith.constant 48 : index
        %swap3A_347 = tpu.vector_load %arg8[%swap3A_345, %swap3A_346] {strides = array<i32>} : memref<200x128xf32, #tpu.memory_space<vmem>>, vector<1x16xf32>,
        %swap3A_348 = vector.shape_cast %swap3A_347 : vector<1x16xf32> to vector<16xf32>
        %swap3A_349 = vector.shape_cast %get3A_344 : vector<16xf32> to vector<1x16xf32>
        tpu.vector_store %arg8[%swap3A_345, %swap3A_346], %swap3A_349 {add = true, strides = array<i32>} : memref<200x128xf32, #tpu.memory_space<vmem>>, vector<1x16xf32>,
        %get3A_350 = arith.index_cast %scan3A_315 : i32 to index
        %get3A_351 = arith.constant 64 : index
        %get3A_352 = tpu.vector_load %arg7[%get3A_350, %get3A_351] {strides = array<i32>} : memref<200x128xf32, #tpu.memory_space<vmem>>, vector<1x16xf32>,
        %get3A_353 = vector.shape_cast %get3A_352 : vector<1x16xf32> to vector<16xf32>
        %swap3A_354 = arith.index_cast %scan3A_315 : i32 to index
        %swap3A_355 = arith.constant 64 : index
        %swap3A_356 = tpu.vector_load %arg8[%swap3A_354, %swap3A_355] {strides = array<i32>} : memref<200x128xf32, #tpu.memory_space<vmem>>, vector<1x16xf32>,
        %swap3A_357 = vector.shape_cast %swap3A_356 : vector<1x16xf32> to vector<16xf32>
        %swap3A_358 = vector.shape_cast %get3A_353 : vector<16xf32> to vector<1x16xf32>
        tpu.vector_store %arg8[%swap3A_354, %swap3A_355], %swap3A_358 {add = true, strides = array<i32>} : memref<200x128xf32, #tpu.memory_space<vmem>>, vector<1x16xf32>,
        %get3A_359 = arith.index_cast %scan3A_315 : i32 to index
        %get3A_360 = arith.constant 80 : index
        %get3A_361 = tpu.vector_load %arg7[%get3A_359, %get3A_360] {strides = array<i32>} : memref<200x128xf32, #tpu.memory_space<vmem>>, vector<1x16xf32>,
        %get3A_362 = vector.shape_cast %get3A_361 : vector<1x16xf32> to vector<16xf32>
        %swap3A_363 = arith.index_cast %scan3A_315 : i32 to index
        %swap3A_364 = arith.constant 80 : index
        %swap3A_365 = tpu.vector_load %arg8[%swap3A_363, %swap3A_364] {strides = array<i32>} : memref<200x128xf32, #tpu.memory_space<vmem>>, vector<1x16xf32>,
        %swap3A_366 = vector.shape_cast %swap3A_365 : vector<1x16xf32> to vector<16xf32>
        %swap3A_367 = vector.shape_cast %get3A_362 : vector<16xf32> to vector<1x16xf32>
        tpu.vector_store %arg8[%swap3A_363, %swap3A_364], %swap3A_367 {add = true, strides = array<i32>} : memref<200x128xf32, #tpu.memory_space<vmem>>, vector<1x16xf32>,
        %get3A_368 = arith.index_cast %scan3A_315 : i32 to index
        %get3A_369 = arith.constant 96 : index
        %get3A_370 = tpu.vector_load %arg7[%get3A_368, %get3A_369] {strides = array<i32>} : memref<200x128xf32, #tpu.memory_space<vmem>>, vector<1x16xf32>,
        %get3A_371 = vector.shape_cast %get3A_370 : vector<1x16xf32> to vector<16xf32>
        %swap3A_372 = arith.index_cast %scan3A_315 : i32 to index
        %swap3A_373 = arith.constant 96 : index
        %swap3A_374 = tpu.vector_load %arg8[%swap3A_372, %swap3A_373] {strides = array<i32>} : memref<200x128xf32, #tpu.memory_space<vmem>>, vector<1x16xf32>,
        %swap3A_375 = vector.shape_cast %swap3A_374 : vector<1x16xf32> to vector<16xf32>
        %swap3A_376 = vector.shape_cast %get3A_371 : vector<16xf32> to vector<1x16xf32>
        tpu.vector_store %arg8[%swap3A_372, %swap3A_373], %swap3A_376 {add = true, strides = array<i32>} : memref<200x128xf32, #tpu.memory_space<vmem>>, vector<1x16xf32>,
        %get3A_377 = arith.index_cast %scan3A_315 : i32 to index
        %get3A_378 = arith.constant 112 : index
        %get3A_379 = tpu.vector_load %arg7[%get3A_377, %get3A_378] {strides = array<i32>} : memref<200x128xf32, #tpu.memory_space<vmem>>, vector<1x16xf32>,
        %get3A_380 = vector.shape_cast %get3A_379 : vector<1x16xf32> to vector<16xf32>
        %swap3A_381 = arith.index_cast %scan3A_315 : i32 to index
        %swap3A_382 = arith.constant 112 : index
        %swap3A_383 = tpu.vector_load %arg8[%swap3A_381, %swap3A_382] {strides = array<i32>} : memref<200x128xf32, #tpu.memory_space<vmem>>, vector<1x16xf32>,
        %swap3A_384 = vector.shape_cast %swap3A_383 : vector<1x16xf32> to vector<16xf32>
        %swap3A_385 = vector.shape_cast %get3A_380 : vector<16xf32> to vector<1x16xf32>
        tpu.vector_store %arg8[%swap3A_381, %swap3A_382], %swap3A_385 {add = true, strides = array<i32>} : memref<200x128xf32, #tpu.memory_space<vmem>>, vector<1x16xf32>,
      }
      %scan3A_86 = arith.constant 32 : i32
      %mul3A_87 = arith.constant 200 : i32
      %mul3A_88 = arith.muli %add3A_23, %mul3A_87 : i32
      %add3A_89 = arith.addi %mul3A_2, %mul3A_88 : i32
      %add3A_90 = arith.constant 72 : i32
      %add3A_91 = arith.addi %add3A_89, %add3A_90 : i32
      %dma_start3A_92 = arith.constant 72 : i32
      %dma_start3A_93 = arith.constant 0 : i32
      %dma_start3A_94 = tpu.memref_slice %arg8[%dma_start3A_92, %dma_start3A_93] : memref<200x128xf32, #tpu.memory_space<vmem>> -> memref<32x128xf32, #tpu.memory_space<vmem>>
      %dma_start3A_95 = arith.constant 0 : i32
      %dma_start3A_96 = tpu.memref_slice %arg5[%add3A_91, %dma_start3A_95] : memref<819200x128xf32, #tpu.memory_space<hbm>> -> memref<32x128xf32, #tpu.memory_space<hbm>>
      %dma_start3A_97 = arith.constant 0 : i32
      %dma_start3A_98 = tpu.memref_slice %arg5[%add3A_91, %dma_start3A_97] : memref<819200x128xf32, #tpu.memory_space<hbm>> -> memref<32x128xf32, #tpu.memory_space<hbm>>
      %dma_start3A_99 = arith.constant 72 : i32
      %dma_start3A_100 = arith.constant 0 : i32
      %dma_start3A_101 = tpu.memref_slice %arg8[%dma_start3A_99, %dma_start3A_100] : memref<200x128xf32, #tpu.memory_space<vmem>> -> memref<32x128xf32, #tpu.memory_space<vmem>>
      tpu.enqueue_dma source(%dma_start3A_101 : memref<32x128xf32, #tpu.memory_space<vmem>>) target(%dma_start3A_98 : memref<32x128xf32, #tpu.memory_space<hbm>>) target_semaphore(%arg12 : memref<!tpu.dma_semaphore, #tpu.memory_space<semaphore_mem>>)
      %scan3A_102 = arith.constant 0 : i32
      %scan3A_103 = arith.constant 104 : i32
      %scan3A_104 = arith.constant 32 : i32
      %scan3A_105 = arith.addi %scan3A_103, %scan3A_104 : i32
      %scan3A_106 = arith.constant 1 : i32
      scf.for %scan3A_315 = %scan3A_103 to %scan3A_105 step %scan3A_106  : i32 {
        %get3A = arith.index_cast %scan3A_315 : i32 to index
        %get3A_316 = arith.constant 0 : index
        %get3A_317 = tpu.vector_load %arg7[%get3A, %get3A_316] {strides = array<i32>} : memref<200x128xf32, #tpu.memory_space<vmem>>, vector<1x16xf32>,
        %get3A_318 = vector.shape_cast %get3A_317 : vector<1x16xf32> to vector<16xf32>
        %swap3A = arith.index_cast %scan3A_315 : i32 to index
        %swap3A_319 = arith.constant 0 : index
        %swap3A_320 = tpu.vector_load %arg8[%swap3A, %swap3A_319] {strides = array<i32>} : memref<200x128xf32, #tpu.memory_space<vmem>>, vector<1x16xf32>,
        %swap3A_321 = vector.shape_cast %swap3A_320 : vector<1x16xf32> to vector<16xf32>
        %swap3A_322 = vector.shape_cast %get3A_318 : vector<16xf32> to vector<1x16xf32>
        tpu.vector_store %arg8[%swap3A, %swap3A_319], %swap3A_322 {add = true, strides = array<i32>} : memref<200x128xf32, #tpu.memory_space<vmem>>, vector<1x16xf32>,
        %get3A_323 = arith.index_cast %scan3A_315 : i32 to index
        %get3A_324 = arith.constant 16 : index
        %get3A_325 = tpu.vector_load %arg7[%get3A_323, %get3A_324] {strides = array<i32>} : memref<200x128xf32, #tpu.memory_space<vmem>>, vector<1x16xf32>,
        %get3A_326 = vector.shape_cast %get3A_325 : vector<1x16xf32> to vector<16xf32>
        %swap3A_327 = arith.index_cast %scan3A_315 : i32 to index
        %swap3A_328 = arith.constant 16 : index
        %swap3A_329 = tpu.vector_load %arg8[%swap3A_327, %swap3A_328] {strides = array<i32>} : memref<200x128xf32, #tpu.memory_space<vmem>>, vector<1x16xf32>,
        %swap3A_330 = vector.shape_cast %swap3A_329 : vector<1x16xf32> to vector<16xf32>
        %swap3A_331 = vector.shape_cast %get3A_326 : vector<16xf32> to vector<1x16xf32>
        tpu.vector_store %arg8[%swap3A_327, %swap3A_328], %swap3A_331 {add = true, strides = array<i32>} : memref<200x128xf32, #tpu.memory_space<vmem>>, vector<1x16xf32>,
        %get3A_332 = arith.index_cast %scan3A_315 : i32 to index
        %get3A_333 = arith.constant 32 : index
        %get3A_334 = tpu.vector_load %arg7[%get3A_332, %get3A_333] {strides = array<i32>} : memref<200x128xf32, #tpu.memory_space<vmem>>, vector<1x16xf32>,
        %get3A_335 = vector.shape_cast %get3A_334 : vector<1x16xf32> to vector<16xf32>
        %swap3A_336 = arith.index_cast %scan3A_315 : i32 to index
        %swap3A_337 = arith.constant 32 : index
        %swap3A_338 = tpu.vector_load %arg8[%swap3A_336, %swap3A_337] {strides = array<i32>} : memref<200x128xf32, #tpu.memory_space<vmem>>, vector<1x16xf32>,
        %swap3A_339 = vector.shape_cast %swap3A_338 : vector<1x16xf32> to vector<16xf32>
        %swap3A_340 = vector.shape_cast %get3A_335 : vector<16xf32> to vector<1x16xf32>
        tpu.vector_store %arg8[%swap3A_336, %swap3A_337], %swap3A_340 {add = true, strides = array<i32>} : memref<200x128xf32, #tpu.memory_space<vmem>>, vector<1x16xf32>,
        %get3A_341 = arith.index_cast %scan3A_315 : i32 to index
        %get3A_342 = arith.constant 48 : index
        %get3A_343 = tpu.vector_load %arg7[%get3A_341, %get3A_342] {strides = array<i32>} : memref<200x128xf32, #tpu.memory_space<vmem>>, vector<1x16xf32>,
        %get3A_344 = vector.shape_cast %get3A_343 : vector<1x16xf32> to vector<16xf32>
        %swap3A_345 = arith.index_cast %scan3A_315 : i32 to index
        %swap3A_346 = arith.constant 48 : index
        %swap3A_347 = tpu.vector_load %arg8[%swap3A_345, %swap3A_346] {strides = array<i32>} : memref<200x128xf32, #tpu.memory_space<vmem>>, vector<1x16xf32>,
        %swap3A_348 = vector.shape_cast %swap3A_347 : vector<1x16xf32> to vector<16xf32>
        %swap3A_349 = vector.shape_cast %get3A_344 : vector<16xf32> to vector<1x16xf32>
        tpu.vector_store %arg8[%swap3A_345, %swap3A_346], %swap3A_349 {add = true, strides = array<i32>} : memref<200x128xf32, #tpu.memory_space<vmem>>, vector<1x16xf32>,
        %get3A_350 = arith.index_cast %scan3A_315 : i32 to index
        %get3A_351 = arith.constant 64 : index
        %get3A_352 = tpu.vector_load %arg7[%get3A_350, %get3A_351] {strides = array<i32>} : memref<200x128xf32, #tpu.memory_space<vmem>>, vector<1x16xf32>,
        %get3A_353 = vector.shape_cast %get3A_352 : vector<1x16xf32> to vector<16xf32>
        %swap3A_354 = arith.index_cast %scan3A_315 : i32 to index
        %swap3A_355 = arith.constant 64 : index
        %swap3A_356 = tpu.vector_load %arg8[%swap3A_354, %swap3A_355] {strides = array<i32>} : memref<200x128xf32, #tpu.memory_space<vmem>>, vector<1x16xf32>,
        %swap3A_357 = vector.shape_cast %swap3A_356 : vector<1x16xf32> to vector<16xf32>
        %swap3A_358 = vector.shape_cast %get3A_353 : vector<16xf32> to vector<1x16xf32>
        tpu.vector_store %arg8[%swap3A_354, %swap3A_355], %swap3A_358 {add = true, strides = array<i32>} : memref<200x128xf32, #tpu.memory_space<vmem>>, vector<1x16xf32>,
        %get3A_359 = arith.index_cast %scan3A_315 : i32 to index
        %get3A_360 = arith.constant 80 : index
        %get3A_361 = tpu.vector_load %arg7[%get3A_359, %get3A_360] {strides = array<i32>} : memref<200x128xf32, #tpu.memory_space<vmem>>, vector<1x16xf32>,
        %get3A_362 = vector.shape_cast %get3A_361 : vector<1x16xf32> to vector<16xf32>
        %swap3A_363 = arith.index_cast %scan3A_315 : i32 to index
        %swap3A_364 = arith.constant 80 : index
        %swap3A_365 = tpu.vector_load %arg8[%swap3A_363, %swap3A_364] {strides = array<i32>} : memref<200x128xf32, #tpu.memory_space<vmem>>, vector<1x16xf32>,
        %swap3A_366 = vector.shape_cast %swap3A_365 : vector<1x16xf32> to vector<16xf32>
        %swap3A_367 = vector.shape_cast %get3A_362 : vector<16xf32> to vector<1x16xf32>
        tpu.vector_store %arg8[%swap3A_363, %swap3A_364], %swap3A_367 {add = true, strides = array<i32>} : memref<200x128xf32, #tpu.memory_space<vmem>>, vector<1x16xf32>,
        %get3A_368 = arith.index_cast %scan3A_315 : i32 to index
        %get3A_369 = arith.constant 96 : index
        %get3A_370 = tpu.vector_load %arg7[%get3A_368, %get3A_369] {strides = array<i32>} : memref<200x128xf32, #tpu.memory_space<vmem>>, vector<1x16xf32>,
        %get3A_371 = vector.shape_cast %get3A_370 : vector<1x16xf32> to vector<16xf32>
        %swap3A_372 = arith.index_cast %scan3A_315 : i32 to index
        %swap3A_373 = arith.constant 96 : index
        %swap3A_374 = tpu.vector_load %arg8[%swap3A_372, %swap3A_373] {strides = array<i32>} : memref<200x128xf32, #tpu.memory_space<vmem>>, vector<1x16xf32>,
        %swap3A_375 = vector.shape_cast %swap3A_374 : vector<1x16xf32> to vector<16xf32>
        %swap3A_376 = vector.shape_cast %get3A_371 : vector<16xf32> to vector<1x16xf32>
        tpu.vector_store %arg8[%swap3A_372, %swap3A_373], %swap3A_376 {add = true, strides = array<i32>} : memref<200x128xf32, #tpu.memory_space<vmem>>, vector<1x16xf32>,
        %get3A_377 = arith.index_cast %scan3A_315 : i32 to index
        %get3A_378 = arith.constant 112 : index
        %get3A_379 = tpu.vector_load %arg7[%get3A_377, %get3A_378] {strides = array<i32>} : memref<200x128xf32, #tpu.memory_space<vmem>>, vector<1x16xf32>,
        %get3A_380 = vector.shape_cast %get3A_379 : vector<1x16xf32> to vector<16xf32>
        %swap3A_381 = arith.index_cast %scan3A_315 : i32 to index
        %swap3A_382 = arith.constant 112 : index
        %swap3A_383 = tpu.vector_load %arg8[%swap3A_381, %swap3A_382] {strides = array<i32>} : memref<200x128xf32, #tpu.memory_space<vmem>>, vector<1x16xf32>,
        %swap3A_384 = vector.shape_cast %swap3A_383 : vector<1x16xf32> to vector<16xf32>
        %swap3A_385 = vector.shape_cast %get3A_380 : vector<16xf32> to vector<1x16xf32>
        tpu.vector_store %arg8[%swap3A_381, %swap3A_382], %swap3A_385 {add = true, strides = array<i32>} : memref<200x128xf32, #tpu.memory_space<vmem>>, vector<1x16xf32>,
      }
      %scan3A_107 = arith.constant 32 : i32
      %mul3A_108 = arith.constant 200 : i32
      %mul3A_109 = arith.muli %add3A_23, %mul3A_108 : i32
      %add3A_110 = arith.addi %mul3A_2, %mul3A_109 : i32
      %add3A_111 = arith.constant 104 : i32
      %add3A_112 = arith.addi %add3A_110, %add3A_111 : i32
      %dma_start3A_113 = arith.constant 104 : i32
      %dma_start3A_114 = arith.constant 0 : i32
      %dma_start3A_115 = tpu.memref_slice %arg8[%dma_start3A_113, %dma_start3A_114] : memref<200x128xf32, #tpu.memory_space<vmem>> -> memref<32x128xf32, #tpu.memory_space<vmem>>
      %dma_start3A_116 = arith.constant 0 : i32
      %dma_start3A_117 = tpu.memref_slice %arg5[%add3A_112, %dma_start3A_116] : memref<819200x128xf32, #tpu.memory_space<hbm>> -> memref<32x128xf32, #tpu.memory_space<hbm>>
      %dma_start3A_118 = arith.constant 0 : i32
      %dma_start3A_119 = tpu.memref_slice %arg5[%add3A_112, %dma_start3A_118] : memref<819200x128xf32, #tpu.memory_space<hbm>> -> memref<32x128xf32, #tpu.memory_space<hbm>>
      %dma_start3A_120 = arith.constant 104 : i32
      %dma_start3A_121 = arith.constant 0 : i32
      %dma_start3A_122 = tpu.memref_slice %arg8[%dma_start3A_120, %dma_start3A_121] : memref<200x128xf32, #tpu.memory_space<vmem>> -> memref<32x128xf32, #tpu.memory_space<vmem>>
      tpu.enqueue_dma source(%dma_start3A_122 : memref<32x128xf32, #tpu.memory_space<vmem>>) target(%dma_start3A_119 : memref<32x128xf32, #tpu.memory_space<hbm>>) target_semaphore(%arg12 : memref<!tpu.dma_semaphore, #tpu.memory_space<semaphore_mem>>)
      %scan3A_123 = arith.constant 0 : i32
      %scan3A_124 = arith.constant 136 : i32
      %scan3A_125 = arith.constant 32 : i32
      %scan3A_126 = arith.addi %scan3A_124, %scan3A_125 : i32
      %scan3A_127 = arith.constant 1 : i32
      scf.for %scan3A_315 = %scan3A_124 to %scan3A_126 step %scan3A_127  : i32 {
        %get3A = arith.index_cast %scan3A_315 : i32 to index
        %get3A_316 = arith.constant 0 : index
        %get3A_317 = tpu.vector_load %arg7[%get3A, %get3A_316] {strides = array<i32>} : memref<200x128xf32, #tpu.memory_space<vmem>>, vector<1x16xf32>,
        %get3A_318 = vector.shape_cast %get3A_317 : vector<1x16xf32> to vector<16xf32>
        %swap3A = arith.index_cast %scan3A_315 : i32 to index
        %swap3A_319 = arith.constant 0 : index
        %swap3A_320 = tpu.vector_load %arg8[%swap3A, %swap3A_319] {strides = array<i32>} : memref<200x128xf32, #tpu.memory_space<vmem>>, vector<1x16xf32>,
        %swap3A_321 = vector.shape_cast %swap3A_320 : vector<1x16xf32> to vector<16xf32>
        %swap3A_322 = vector.shape_cast %get3A_318 : vector<16xf32> to vector<1x16xf32>
        tpu.vector_store %arg8[%swap3A, %swap3A_319], %swap3A_322 {add = true, strides = array<i32>} : memref<200x128xf32, #tpu.memory_space<vmem>>, vector<1x16xf32>,
        %get3A_323 = arith.index_cast %scan3A_315 : i32 to index
        %get3A_324 = arith.constant 16 : index
        %get3A_325 = tpu.vector_load %arg7[%get3A_323, %get3A_324] {strides = array<i32>} : memref<200x128xf32, #tpu.memory_space<vmem>>, vector<1x16xf32>,
        %get3A_326 = vector.shape_cast %get3A_325 : vector<1x16xf32> to vector<16xf32>
        %swap3A_327 = arith.index_cast %scan3A_315 : i32 to index
        %swap3A_328 = arith.constant 16 : index
        %swap3A_329 = tpu.vector_load %arg8[%swap3A_327, %swap3A_328] {strides = array<i32>} : memref<200x128xf32, #tpu.memory_space<vmem>>, vector<1x16xf32>,
        %swap3A_330 = vector.shape_cast %swap3A_329 : vector<1x16xf32> to vector<16xf32>
        %swap3A_331 = vector.shape_cast %get3A_326 : vector<16xf32> to vector<1x16xf32>
        tpu.vector_store %arg8[%swap3A_327, %swap3A_328], %swap3A_331 {add = true, strides = array<i32>} : memref<200x128xf32, #tpu.memory_space<vmem>>, vector<1x16xf32>,
        %get3A_332 = arith.index_cast %scan3A_315 : i32 to index
        %get3A_333 = arith.constant 32 : index
        %get3A_334 = tpu.vector_load %arg7[%get3A_332, %get3A_333] {strides = array<i32>} : memref<200x128xf32, #tpu.memory_space<vmem>>, vector<1x16xf32>,
        %get3A_335 = vector.shape_cast %get3A_334 : vector<1x16xf32> to vector<16xf32>
        %swap3A_336 = arith.index_cast %scan3A_315 : i32 to index
        %swap3A_337 = arith.constant 32 : index
        %swap3A_338 = tpu.vector_load %arg8[%swap3A_336, %swap3A_337] {strides = array<i32>} : memref<200x128xf32, #tpu.memory_space<vmem>>, vector<1x16xf32>,
        %swap3A_339 = vector.shape_cast %swap3A_338 : vector<1x16xf32> to vector<16xf32>
        %swap3A_340 = vector.shape_cast %get3A_335 : vector<16xf32> to vector<1x16xf32>
        tpu.vector_store %arg8[%swap3A_336, %swap3A_337], %swap3A_340 {add = true, strides = array<i32>} : memref<200x128xf32, #tpu.memory_space<vmem>>, vector<1x16xf32>,
        %get3A_341 = arith.index_cast %scan3A_315 : i32 to index
        %get3A_342 = arith.constant 48 : index
        %get3A_343 = tpu.vector_load %arg7[%get3A_341, %get3A_342] {strides = array<i32>} : memref<200x128xf32, #tpu.memory_space<vmem>>, vector<1x16xf32>,
        %get3A_344 = vector.shape_cast %get3A_343 : vector<1x16xf32> to vector<16xf32>
        %swap3A_345 = arith.index_cast %scan3A_315 : i32 to index
        %swap3A_346 = arith.constant 48 : index
        %swap3A_347 = tpu.vector_load %arg8[%swap3A_345, %swap3A_346] {strides = array<i32>} : memref<200x128xf32, #tpu.memory_space<vmem>>, vector<1x16xf32>,
        %swap3A_348 = vector.shape_cast %swap3A_347 : vector<1x16xf32> to vector<16xf32>
        %swap3A_349 = vector.shape_cast %get3A_344 : vector<16xf32> to vector<1x16xf32>
        tpu.vector_store %arg8[%swap3A_345, %swap3A_346], %swap3A_349 {add = true, strides = array<i32>} : memref<200x128xf32, #tpu.memory_space<vmem>>, vector<1x16xf32>,
        %get3A_350 = arith.index_cast %scan3A_315 : i32 to index
        %get3A_351 = arith.constant 64 : index
        %get3A_352 = tpu.vector_load %arg7[%get3A_350, %get3A_351] {strides = array<i32>} : memref<200x128xf32, #tpu.memory_space<vmem>>, vector<1x16xf32>,
        %get3A_353 = vector.shape_cast %get3A_352 : vector<1x16xf32> to vector<16xf32>
        %swap3A_354 = arith.index_cast %scan3A_315 : i32 to index
        %swap3A_355 = arith.constant 64 : index
        %swap3A_356 = tpu.vector_load %arg8[%swap3A_354, %swap3A_355] {strides = array<i32>} : memref<200x128xf32, #tpu.memory_space<vmem>>, vector<1x16xf32>,
        %swap3A_357 = vector.shape_cast %swap3A_356 : vector<1x16xf32> to vector<16xf32>
        %swap3A_358 = vector.shape_cast %get3A_353 : vector<16xf32> to vector<1x16xf32>
        tpu.vector_store %arg8[%swap3A_354, %swap3A_355], %swap3A_358 {add = true, strides = array<i32>} : memref<200x128xf32, #tpu.memory_space<vmem>>, vector<1x16xf32>,
        %get3A_359 = arith.index_cast %scan3A_315 : i32 to index
        %get3A_360 = arith.constant 80 : index
        %get3A_361 = tpu.vector_load %arg7[%get3A_359, %get3A_360] {strides = array<i32>} : memref<200x128xf32, #tpu.memory_space<vmem>>, vector<1x16xf32>,
        %get3A_362 = vector.shape_cast %get3A_361 : vector<1x16xf32> to vector<16xf32>
        %swap3A_363 = arith.index_cast %scan3A_315 : i32 to index
        %swap3A_364 = arith.constant 80 : index
        %swap3A_365 = tpu.vector_load %arg8[%swap3A_363, %swap3A_364] {strides = array<i32>} : memref<200x128xf32, #tpu.memory_space<vmem>>, vector<1x16xf32>,
        %swap3A_366 = vector.shape_cast %swap3A_365 : vector<1x16xf32> to vector<16xf32>
        %swap3A_367 = vector.shape_cast %get3A_362 : vector<16xf32> to vector<1x16xf32>
        tpu.vector_store %arg8[%swap3A_363, %swap3A_364], %swap3A_367 {add = true, strides = array<i32>} : memref<200x128xf32, #tpu.memory_space<vmem>>, vector<1x16xf32>,
        %get3A_368 = arith.index_cast %scan3A_315 : i32 to index
        %get3A_369 = arith.constant 96 : index
        %get3A_370 = tpu.vector_load %arg7[%get3A_368, %get3A_369] {strides = array<i32>} : memref<200x128xf32, #tpu.memory_space<vmem>>, vector<1x16xf32>,
        %get3A_371 = vector.shape_cast %get3A_370 : vector<1x16xf32> to vector<16xf32>
        %swap3A_372 = arith.index_cast %scan3A_315 : i32 to index
        %swap3A_373 = arith.constant 96 : index
        %swap3A_374 = tpu.vector_load %arg8[%swap3A_372, %swap3A_373] {strides = array<i32>} : memref<200x128xf32, #tpu.memory_space<vmem>>, vector<1x16xf32>,
        %swap3A_375 = vector.shape_cast %swap3A_374 : vector<1x16xf32> to vector<16xf32>
        %swap3A_376 = vector.shape_cast %get3A_371 : vector<16xf32> to vector<1x16xf32>
        tpu.vector_store %arg8[%swap3A_372, %swap3A_373], %swap3A_376 {add = true, strides = array<i32>} : memref<200x128xf32, #tpu.memory_space<vmem>>, vector<1x16xf32>,
        %get3A_377 = arith.index_cast %scan3A_315 : i32 to index
        %get3A_378 = arith.constant 112 : index
        %get3A_379 = tpu.vector_load %arg7[%get3A_377, %get3A_378] {strides = array<i32>} : memref<200x128xf32, #tpu.memory_space<vmem>>, vector<1x16xf32>,
        %get3A_380 = vector.shape_cast %get3A_379 : vector<1x16xf32> to vector<16xf32>
        %swap3A_381 = arith.index_cast %scan3A_315 : i32 to index
        %swap3A_382 = arith.constant 112 : index
        %swap3A_383 = tpu.vector_load %arg8[%swap3A_381, %swap3A_382] {strides = array<i32>} : memref<200x128xf32, #tpu.memory_space<vmem>>, vector<1x16xf32>,
        %swap3A_384 = vector.shape_cast %swap3A_383 : vector<1x16xf32> to vector<16xf32>
        %swap3A_385 = vector.shape_cast %get3A_380 : vector<16xf32> to vector<1x16xf32>
        tpu.vector_store %arg8[%swap3A_381, %swap3A_382], %swap3A_385 {add = true, strides = array<i32>} : memref<200x128xf32, #tpu.memory_space<vmem>>, vector<1x16xf32>,
      }
      %scan3A_128 = arith.constant 32 : i32
      %mul3A_129 = arith.constant 200 : i32
      %mul3A_130 = arith.muli %add3A_23, %mul3A_129 : i32
      %add3A_131 = arith.addi %mul3A_2, %mul3A_130 : i32
      %add3A_132 = arith.constant 136 : i32
      %add3A_133 = arith.addi %add3A_131, %add3A_132 : i32
      %dma_start3A_134 = arith.constant 136 : i32
      %dma_start3A_135 = arith.constant 0 : i32
      %dma_start3A_136 = tpu.memref_slice %arg8[%dma_start3A_134, %dma_start3A_135] : memref<200x128xf32, #tpu.memory_space<vmem>> -> memref<32x128xf32, #tpu.memory_space<vmem>>
      %dma_start3A_137 = arith.constant 0 : i32
      %dma_start3A_138 = tpu.memref_slice %arg5[%add3A_133, %dma_start3A_137] : memref<819200x128xf32, #tpu.memory_space<hbm>> -> memref<32x128xf32, #tpu.memory_space<hbm>>
      %dma_start3A_139 = arith.constant 0 : i32
      %dma_start3A_140 = tpu.memref_slice %arg5[%add3A_133, %dma_start3A_139] : memref<819200x128xf32, #tpu.memory_space<hbm>> -> memref<32x128xf32, #tpu.memory_space<hbm>>
      %dma_start3A_141 = arith.constant 136 : i32
      %dma_start3A_142 = arith.constant 0 : i32
      %dma_start3A_143 = tpu.memref_slice %arg8[%dma_start3A_141, %dma_start3A_142] : memref<200x128xf32, #tpu.memory_space<vmem>> -> memref<32x128xf32, #tpu.memory_space<vmem>>
      tpu.enqueue_dma source(%dma_start3A_143 : memref<32x128xf32, #tpu.memory_space<vmem>>) target(%dma_start3A_140 : memref<32x128xf32, #tpu.memory_space<hbm>>) target_semaphore(%arg12 : memref<!tpu.dma_semaphore, #tpu.memory_space<semaphore_mem>>)
      %scan3A_144 = arith.constant 0 : i32
      %scan3A_145 = arith.constant 168 : i32
      %scan3A_146 = arith.constant 32 : i32
      %scan3A_147 = arith.addi %scan3A_145, %scan3A_146 : i32
      %scan3A_148 = arith.constant 1 : i32
      scf.for %scan3A_315 = %scan3A_145 to %scan3A_147 step %scan3A_148  : i32 {
        %get3A = arith.index_cast %scan3A_315 : i32 to index
        %get3A_316 = arith.constant 0 : index
        %get3A_317 = tpu.vector_load %arg7[%get3A, %get3A_316] {strides = array<i32>} : memref<200x128xf32, #tpu.memory_space<vmem>>, vector<1x16xf32>,
        %get3A_318 = vector.shape_cast %get3A_317 : vector<1x16xf32> to vector<16xf32>
        %swap3A = arith.index_cast %scan3A_315 : i32 to index
        %swap3A_319 = arith.constant 0 : index
        %swap3A_320 = tpu.vector_load %arg8[%swap3A, %swap3A_319] {strides = array<i32>} : memref<200x128xf32, #tpu.memory_space<vmem>>, vector<1x16xf32>,
        %swap3A_321 = vector.shape_cast %swap3A_320 : vector<1x16xf32> to vector<16xf32>
        %swap3A_322 = vector.shape_cast %get3A_318 : vector<16xf32> to vector<1x16xf32>
        tpu.vector_store %arg8[%swap3A, %swap3A_319], %swap3A_322 {add = true, strides = array<i32>} : memref<200x128xf32, #tpu.memory_space<vmem>>, vector<1x16xf32>,
        %get3A_323 = arith.index_cast %scan3A_315 : i32 to index
        %get3A_324 = arith.constant 16 : index
        %get3A_325 = tpu.vector_load %arg7[%get3A_323, %get3A_324] {strides = array<i32>} : memref<200x128xf32, #tpu.memory_space<vmem>>, vector<1x16xf32>,
        %get3A_326 = vector.shape_cast %get3A_325 : vector<1x16xf32> to vector<16xf32>
        %swap3A_327 = arith.index_cast %scan3A_315 : i32 to index
        %swap3A_328 = arith.constant 16 : index
        %swap3A_329 = tpu.vector_load %arg8[%swap3A_327, %swap3A_328] {strides = array<i32>} : memref<200x128xf32, #tpu.memory_space<vmem>>, vector<1x16xf32>,
        %swap3A_330 = vector.shape_cast %swap3A_329 : vector<1x16xf32> to vector<16xf32>
        %swap3A_331 = vector.shape_cast %get3A_326 : vector<16xf32> to vector<1x16xf32>
        tpu.vector_store %arg8[%swap3A_327, %swap3A_328], %swap3A_331 {add = true, strides = array<i32>} : memref<200x128xf32, #tpu.memory_space<vmem>>, vector<1x16xf32>,
        %get3A_332 = arith.index_cast %scan3A_315 : i32 to index
        %get3A_333 = arith.constant 32 : index
        %get3A_334 = tpu.vector_load %arg7[%get3A_332, %get3A_333] {strides = array<i32>} : memref<200x128xf32, #tpu.memory_space<vmem>>, vector<1x16xf32>,
        %get3A_335 = vector.shape_cast %get3A_334 : vector<1x16xf32> to vector<16xf32>
        %swap3A_336 = arith.index_cast %scan3A_315 : i32 to index
        %swap3A_337 = arith.constant 32 : index
        %swap3A_338 = tpu.vector_load %arg8[%swap3A_336, %swap3A_337] {strides = array<i32>} : memref<200x128xf32, #tpu.memory_space<vmem>>, vector<1x16xf32>,
        %swap3A_339 = vector.shape_cast %swap3A_338 : vector<1x16xf32> to vector<16xf32>
        %swap3A_340 = vector.shape_cast %get3A_335 : vector<16xf32> to vector<1x16xf32>
        tpu.vector_store %arg8[%swap3A_336, %swap3A_337], %swap3A_340 {add = true, strides = array<i32>} : memref<200x128xf32, #tpu.memory_space<vmem>>, vector<1x16xf32>,
        %get3A_341 = arith.index_cast %scan3A_315 : i32 to index
        %get3A_342 = arith.constant 48 : index
        %get3A_343 = tpu.vector_load %arg7[%get3A_341, %get3A_342] {strides = array<i32>} : memref<200x128xf32, #tpu.memory_space<vmem>>, vector<1x16xf32>,
        %get3A_344 = vector.shape_cast %get3A_343 : vector<1x16xf32> to vector<16xf32>
        %swap3A_345 = arith.index_cast %scan3A_315 : i32 to index
        %swap3A_346 = arith.constant 48 : index
        %swap3A_347 = tpu.vector_load %arg8[%swap3A_345, %swap3A_346] {strides = array<i32>} : memref<200x128xf32, #tpu.memory_space<vmem>>, vector<1x16xf32>,
        %swap3A_348 = vector.shape_cast %swap3A_347 : vector<1x16xf32> to vector<16xf32>
        %swap3A_349 = vector.shape_cast %get3A_344 : vector<16xf32> to vector<1x16xf32>
        tpu.vector_store %arg8[%swap3A_345, %swap3A_346], %swap3A_349 {add = true, strides = array<i32>} : memref<200x128xf32, #tpu.memory_space<vmem>>, vector<1x16xf32>,
        %get3A_350 = arith.index_cast %scan3A_315 : i32 to index
        %get3A_351 = arith.constant 64 : index
        %get3A_352 = tpu.vector_load %arg7[%get3A_350, %get3A_351] {strides = array<i32>} : memref<200x128xf32, #tpu.memory_space<vmem>>, vector<1x16xf32>,
        %get3A_353 = vector.shape_cast %get3A_352 : vector<1x16xf32> to vector<16xf32>
        %swap3A_354 = arith.index_cast %scan3A_315 : i32 to index
        %swap3A_355 = arith.constant 64 : index
        %swap3A_356 = tpu.vector_load %arg8[%swap3A_354, %swap3A_355] {strides = array<i32>} : memref<200x128xf32, #tpu.memory_space<vmem>>, vector<1x16xf32>,
        %swap3A_357 = vector.shape_cast %swap3A_356 : vector<1x16xf32> to vector<16xf32>
        %swap3A_358 = vector.shape_cast %get3A_353 : vector<16xf32> to vector<1x16xf32>
        tpu.vector_store %arg8[%swap3A_354, %swap3A_355], %swap3A_358 {add = true, strides = array<i32>} : memref<200x128xf32, #tpu.memory_space<vmem>>, vector<1x16xf32>,
        %get3A_359 = arith.index_cast %scan3A_315 : i32 to index
        %get3A_360 = arith.constant 80 : index
        %get3A_361 = tpu.vector_load %arg7[%get3A_359, %get3A_360] {strides = array<i32>} : memref<200x128xf32, #tpu.memory_space<vmem>>, vector<1x16xf32>,
        %get3A_362 = vector.shape_cast %get3A_361 : vector<1x16xf32> to vector<16xf32>
        %swap3A_363 = arith.index_cast %scan3A_315 : i32 to index
        %swap3A_364 = arith.constant 80 : index
        %swap3A_365 = tpu.vector_load %arg8[%swap3A_363, %swap3A_364] {strides = array<i32>} : memref<200x128xf32, #tpu.memory_space<vmem>>, vector<1x16xf32>,
        %swap3A_366 = vector.shape_cast %swap3A_365 : vector<1x16xf32> to vector<16xf32>
        %swap3A_367 = vector.shape_cast %get3A_362 : vector<16xf32> to vector<1x16xf32>
        tpu.vector_store %arg8[%swap3A_363, %swap3A_364], %swap3A_367 {add = true, strides = array<i32>} : memref<200x128xf32, #tpu.memory_space<vmem>>, vector<1x16xf32>,
        %get3A_368 = arith.index_cast %scan3A_315 : i32 to index
        %get3A_369 = arith.constant 96 : index
        %get3A_370 = tpu.vector_load %arg7[%get3A_368, %get3A_369] {strides = array<i32>} : memref<200x128xf32, #tpu.memory_space<vmem>>, vector<1x16xf32>,
        %get3A_371 = vector.shape_cast %get3A_370 : vector<1x16xf32> to vector<16xf32>
        %swap3A_372 = arith.index_cast %scan3A_315 : i32 to index
        %swap3A_373 = arith.constant 96 : index
        %swap3A_374 = tpu.vector_load %arg8[%swap3A_372, %swap3A_373] {strides = array<i32>} : memref<200x128xf32, #tpu.memory_space<vmem>>, vector<1x16xf32>,
        %swap3A_375 = vector.shape_cast %swap3A_374 : vector<1x16xf32> to vector<16xf32>
        %swap3A_376 = vector.shape_cast %get3A_371 : vector<16xf32> to vector<1x16xf32>
        tpu.vector_store %arg8[%swap3A_372, %swap3A_373], %swap3A_376 {add = true, strides = array<i32>} : memref<200x128xf32, #tpu.memory_space<vmem>>, vector<1x16xf32>,
        %get3A_377 = arith.index_cast %scan3A_315 : i32 to index
        %get3A_378 = arith.constant 112 : index
        %get3A_379 = tpu.vector_load %arg7[%get3A_377, %get3A_378] {strides = array<i32>} : memref<200x128xf32, #tpu.memory_space<vmem>>, vector<1x16xf32>,
        %get3A_380 = vector.shape_cast %get3A_379 : vector<1x16xf32> to vector<16xf32>
        %swap3A_381 = arith.index_cast %scan3A_315 : i32 to index
        %swap3A_382 = arith.constant 112 : index
        %swap3A_383 = tpu.vector_load %arg8[%swap3A_381, %swap3A_382] {strides = array<i32>} : memref<200x128xf32, #tpu.memory_space<vmem>>, vector<1x16xf32>,
        %swap3A_384 = vector.shape_cast %swap3A_383 : vector<1x16xf32> to vector<16xf32>
        %swap3A_385 = vector.shape_cast %get3A_380 : vector<16xf32> to vector<1x16xf32>
        tpu.vector_store %arg8[%swap3A_381, %swap3A_382], %swap3A_385 {add = true, strides = array<i32>} : memref<200x128xf32, #tpu.memory_space<vmem>>, vector<1x16xf32>,
      }
      %scan3A_149 = arith.constant 32 : i32
      %mul3A_150 = arith.constant 200 : i32
      %mul3A_151 = arith.muli %add3A_23, %mul3A_150 : i32
      %add3A_152 = arith.addi %mul3A_2, %mul3A_151 : i32
      %add3A_153 = arith.constant 168 : i32
      %add3A_154 = arith.addi %add3A_152, %add3A_153 : i32
      %dma_start3A_155 = arith.constant 168 : i32
      %dma_start3A_156 = arith.constant 0 : i32
      %dma_start3A_157 = tpu.memref_slice %arg8[%dma_start3A_155, %dma_start3A_156] : memref<200x128xf32, #tpu.memory_space<vmem>> -> memref<32x128xf32, #tpu.memory_space<vmem>>
      %dma_start3A_158 = arith.constant 0 : i32
      %dma_start3A_159 = tpu.memref_slice %arg5[%add3A_154, %dma_start3A_158] : memref<819200x128xf32, #tpu.memory_space<hbm>> -> memref<32x128xf32, #tpu.memory_space<hbm>>
      %dma_start3A_160 = arith.constant 0 : i32
      %dma_start3A_161 = tpu.memref_slice %arg5[%add3A_154, %dma_start3A_160] : memref<819200x128xf32, #tpu.memory_space<hbm>> -> memref<32x128xf32, #tpu.memory_space<hbm>>
      %dma_start3A_162 = arith.constant 168 : i32
      %dma_start3A_163 = arith.constant 0 : i32
      %dma_start3A_164 = tpu.memref_slice %arg8[%dma_start3A_162, %dma_start3A_163] : memref<200x128xf32, #tpu.memory_space<vmem>> -> memref<32x128xf32, #tpu.memory_space<vmem>>
      tpu.enqueue_dma source(%dma_start3A_164 : memref<32x128xf32, #tpu.memory_space<vmem>>) target(%dma_start3A_161 : memref<32x128xf32, #tpu.memory_space<hbm>>) target_semaphore(%arg12 : memref<!tpu.dma_semaphore, #tpu.memory_space<semaphore_mem>>)
      %mul3A_165 = arith.constant 2 : i32
      %mul3A_166 = arith.muli %scan3A_19, %mul3A_165 : i32
      %add3A_167 = arith.constant 1 : i32
      %add3A_168 = arith.addi %mul3A_166, %add3A_167 : i32
      %gt3A_169 = arith.constant 0 : i32
      %gt3A_170 = arith.cmpi sgt, %add3A_168, %gt3A_169 : i32
      %convert_element_type3A_171 = arith.extui %gt3A_170 : i1 to i32
      %cond3A_172 = arith.constant 0 : i32
      %cond3A_173 = arith.cmpi ne, %convert_element_type3A_171, %cond3A_172 : i32
      scf.if %cond3A_173 {
        %dma_wait3A_315 = arith.constant 0 : i32
        %dma_wait3A_316 = tpu.memref_slice %arg5[%mul3A_2, %dma_wait3A_315] : memref<819200x128xf32, #tpu.memory_space<hbm>> -> memref<200x128xf32, #tpu.memory_space<hbm>>
        %dma_wait3A_317 = arith.constant 0 : i32
        %dma_wait3A_318 = tpu.memref_slice %arg5[%mul3A_2, %dma_wait3A_317] : memref<819200x128xf32, #tpu.memory_space<hbm>> -> memref<200x128xf32, #tpu.memory_space<hbm>>
        tpu.wait_dma2 semaphore(%arg12 : memref<!tpu.dma_semaphore, #tpu.memory_space<semaphore_mem>>) src(%arg8 : memref<200x128xf32, #tpu.memory_space<vmem>>) dst(%dma_wait3A_318 : memref<200x128xf32, #tpu.memory_space<hbm>>)
      } else {
      }
      %add3A_174 = arith.constant 2 : i32
      %add3A_175 = arith.addi %add3A_168, %add3A_174 : i32
      %sub3A_176 = arith.constant 1 : i32
      %sub3A_177 = arith.subi %add3A_175, %sub3A_176 : i32
      %lt3A_178 = arith.constant 128 : i32
      %lt3A_179 = arith.cmpi slt, %sub3A_177, %lt3A_178 : i32
      %convert_element_type3A_180 = arith.extui %lt3A_179 : i1 to i32
      %cond3A_181 = arith.constant 0 : i32
      %cond3A_182 = arith.cmpi ne, %convert_element_type3A_180, %cond3A_181 : i32
      scf.if %cond3A_182 {
        %add3A_315 = arith.constant 2 : i32
        %add3A_316 = arith.addi %add3A_168, %add3A_315 : i32
        %sub3A_317 = arith.constant 1 : i32
        %sub3A_318 = arith.subi %add3A_316, %sub3A_317 : i32
        %mul3A_319 = arith.constant 200 : i32
        %mul3A_320 = arith.muli %sub3A_318, %mul3A_319 : i32
        %dma_start3A_321 = tpu.memref_slice %arg6[%mul3A_320] : memref<25600xi32, #tpu.memory_space<vmem>> -> memref<200xi32, #tpu.memory_space<vmem>>
        %dma_start3A_322 = arith.constant 0 : i32
        %dma_start3A_323 = arith.constant 0 : i32
        %dma_start3A_324 = tpu.memref_slice %arg3[%dma_start3A_322, %dma_start3A_323] : memref<100000x128xf32, #tpu.memory_space<hbm>> -> memref<100000x128xf32, #tpu.memory_space<hbm>>
        tpu.enqueue_indirect_dma source(%dma_start3A_324 : memref<100000x128xf32, #tpu.memory_space<hbm>>) target(%arg8 : memref<200x128xf32, #tpu.memory_space<vmem>>) offsets(%dma_start3A_321 : memref<200xi32, #tpu.memory_space<vmem>>) semaphore(%arg10 : memref<!tpu.dma_semaphore, #tpu.memory_space<semaphore_mem>>)
      } else {
      }
      %mul3A_183 = arith.constant 200 : i32
      %mul3A_184 = arith.muli %add3A_168, %mul3A_183 : i32
      %dma_wait3A_185 = tpu.memref_slice %arg6[%mul3A_184] : memref<25600xi32, #tpu.memory_space<vmem>> -> memref<200xi32, #tpu.memory_space<vmem>>
      %dma_wait3A_186 = arith.constant 0 : i32
      %dma_wait3A_187 = arith.constant 0 : i32
      %dma_wait3A_188 = tpu.memref_slice %arg3[%dma_wait3A_186, %dma_wait3A_187] : memref<100000x128xf32, #tpu.memory_space<hbm>> -> memref<100000x128xf32, #tpu.memory_space<hbm>>
      tpu.wait_indirect_dma semaphore(%arg11 : memref<!tpu.dma_semaphore, #tpu.memory_space<semaphore_mem>>) src(%dma_wait3A_188 : memref<100000x128xf32, #tpu.memory_space<hbm>>) dst(%arg9 : memref<200x128xf32, #tpu.memory_space<vmem>>)
      %scan3A_189 = arith.constant 0 : i32
      %scan3A_190 = arith.constant 0 : i32
      %scan3A_191 = arith.constant 40 : i32
      %scan3A_192 = arith.addi %scan3A_190, %scan3A_191 : i32
      %scan3A_193 = arith.constant 1 : i32
      scf.for %scan3A_315 = %scan3A_190 to %scan3A_192 step %scan3A_193  : i32 {
        %get3A = arith.index_cast %scan3A_315 : i32 to index
        %get3A_316 = arith.constant 0 : index
        %get3A_317 = tpu.vector_load %arg7[%get3A, %get3A_316] {strides = array<i32>} : memref<200x128xf32, #tpu.memory_space<vmem>>, vector<1x16xf32>,
        %get3A_318 = vector.shape_cast %get3A_317 : vector<1x16xf32> to vector<16xf32>
        %swap3A = arith.index_cast %scan3A_315 : i32 to index
        %swap3A_319 = arith.constant 0 : index
        %swap3A_320 = tpu.vector_load %arg9[%swap3A, %swap3A_319] {strides = array<i32>} : memref<200x128xf32, #tpu.memory_space<vmem>>, vector<1x16xf32>,
        %swap3A_321 = vector.shape_cast %swap3A_320 : vector<1x16xf32> to vector<16xf32>
        %swap3A_322 = vector.shape_cast %get3A_318 : vector<16xf32> to vector<1x16xf32>
        tpu.vector_store %arg9[%swap3A, %swap3A_319], %swap3A_322 {add = true, strides = array<i32>} : memref<200x128xf32, #tpu.memory_space<vmem>>, vector<1x16xf32>,
        %get3A_323 = arith.index_cast %scan3A_315 : i32 to index
        %get3A_324 = arith.constant 16 : index
        %get3A_325 = tpu.vector_load %arg7[%get3A_323, %get3A_324] {strides = array<i32>} : memref<200x128xf32, #tpu.memory_space<vmem>>, vector<1x16xf32>,
        %get3A_326 = vector.shape_cast %get3A_325 : vector<1x16xf32> to vector<16xf32>
        %swap3A_327 = arith.index_cast %scan3A_315 : i32 to index
        %swap3A_328 = arith.constant 16 : index
        %swap3A_329 = tpu.vector_load %arg9[%swap3A_327, %swap3A_328] {strides = array<i32>} : memref<200x128xf32, #tpu.memory_space<vmem>>, vector<1x16xf32>,
        %swap3A_330 = vector.shape_cast %swap3A_329 : vector<1x16xf32> to vector<16xf32>
        %swap3A_331 = vector.shape_cast %get3A_326 : vector<16xf32> to vector<1x16xf32>
        tpu.vector_store %arg9[%swap3A_327, %swap3A_328], %swap3A_331 {add = true, strides = array<i32>} : memref<200x128xf32, #tpu.memory_space<vmem>>, vector<1x16xf32>,
        %get3A_332 = arith.index_cast %scan3A_315 : i32 to index
        %get3A_333 = arith.constant 32 : index
        %get3A_334 = tpu.vector_load %arg7[%get3A_332, %get3A_333] {strides = array<i32>} : memref<200x128xf32, #tpu.memory_space<vmem>>, vector<1x16xf32>,
        %get3A_335 = vector.shape_cast %get3A_334 : vector<1x16xf32> to vector<16xf32>
        %swap3A_336 = arith.index_cast %scan3A_315 : i32 to index
        %swap3A_337 = arith.constant 32 : index
        %swap3A_338 = tpu.vector_load %arg9[%swap3A_336, %swap3A_337] {strides = array<i32>} : memref<200x128xf32, #tpu.memory_space<vmem>>, vector<1x16xf32>,
        %swap3A_339 = vector.shape_cast %swap3A_338 : vector<1x16xf32> to vector<16xf32>
        %swap3A_340 = vector.shape_cast %get3A_335 : vector<16xf32> to vector<1x16xf32>
        tpu.vector_store %arg9[%swap3A_336, %swap3A_337], %swap3A_340 {add = true, strides = array<i32>} : memref<200x128xf32, #tpu.memory_space<vmem>>, vector<1x16xf32>,
        %get3A_341 = arith.index_cast %scan3A_315 : i32 to index
        %get3A_342 = arith.constant 48 : index
        %get3A_343 = tpu.vector_load %arg7[%get3A_341, %get3A_342] {strides = array<i32>} : memref<200x128xf32, #tpu.memory_space<vmem>>, vector<1x16xf32>,
        %get3A_344 = vector.shape_cast %get3A_343 : vector<1x16xf32> to vector<16xf32>
        %swap3A_345 = arith.index_cast %scan3A_315 : i32 to index
        %swap3A_346 = arith.constant 48 : index
        %swap3A_347 = tpu.vector_load %arg9[%swap3A_345, %swap3A_346] {strides = array<i32>} : memref<200x128xf32, #tpu.memory_space<vmem>>, vector<1x16xf32>,
        %swap3A_348 = vector.shape_cast %swap3A_347 : vector<1x16xf32> to vector<16xf32>
        %swap3A_349 = vector.shape_cast %get3A_344 : vector<16xf32> to vector<1x16xf32>
        tpu.vector_store %arg9[%swap3A_345, %swap3A_346], %swap3A_349 {add = true, strides = array<i32>} : memref<200x128xf32, #tpu.memory_space<vmem>>, vector<1x16xf32>,
        %get3A_350 = arith.index_cast %scan3A_315 : i32 to index
        %get3A_351 = arith.constant 64 : index
        %get3A_352 = tpu.vector_load %arg7[%get3A_350, %get3A_351] {strides = array<i32>} : memref<200x128xf32, #tpu.memory_space<vmem>>, vector<1x16xf32>,
        %get3A_353 = vector.shape_cast %get3A_352 : vector<1x16xf32> to vector<16xf32>
        %swap3A_354 = arith.index_cast %scan3A_315 : i32 to index
        %swap3A_355 = arith.constant 64 : index
        %swap3A_356 = tpu.vector_load %arg9[%swap3A_354, %swap3A_355] {strides = array<i32>} : memref<200x128xf32, #tpu.memory_space<vmem>>, vector<1x16xf32>,
        %swap3A_357 = vector.shape_cast %swap3A_356 : vector<1x16xf32> to vector<16xf32>
        %swap3A_358 = vector.shape_cast %get3A_353 : vector<16xf32> to vector<1x16xf32>
        tpu.vector_store %arg9[%swap3A_354, %swap3A_355], %swap3A_358 {add = true, strides = array<i32>} : memref<200x128xf32, #tpu.memory_space<vmem>>, vector<1x16xf32>,
        %get3A_359 = arith.index_cast %scan3A_315 : i32 to index
        %get3A_360 = arith.constant 80 : index
        %get3A_361 = tpu.vector_load %arg7[%get3A_359, %get3A_360] {strides = array<i32>} : memref<200x128xf32, #tpu.memory_space<vmem>>, vector<1x16xf32>,
        %get3A_362 = vector.shape_cast %get3A_361 : vector<1x16xf32> to vector<16xf32>
        %swap3A_363 = arith.index_cast %scan3A_315 : i32 to index
        %swap3A_364 = arith.constant 80 : index
        %swap3A_365 = tpu.vector_load %arg9[%swap3A_363, %swap3A_364] {strides = array<i32>} : memref<200x128xf32, #tpu.memory_space<vmem>>, vector<1x16xf32>,
        %swap3A_366 = vector.shape_cast %swap3A_365 : vector<1x16xf32> to vector<16xf32>
        %swap3A_367 = vector.shape_cast %get3A_362 : vector<16xf32> to vector<1x16xf32>
        tpu.vector_store %arg9[%swap3A_363, %swap3A_364], %swap3A_367 {add = true, strides = array<i32>} : memref<200x128xf32, #tpu.memory_space<vmem>>, vector<1x16xf32>,
        %get3A_368 = arith.index_cast %scan3A_315 : i32 to index
        %get3A_369 = arith.constant 96 : index
        %get3A_370 = tpu.vector_load %arg7[%get3A_368, %get3A_369] {strides = array<i32>} : memref<200x128xf32, #tpu.memory_space<vmem>>, vector<1x16xf32>,
        %get3A_371 = vector.shape_cast %get3A_370 : vector<1x16xf32> to vector<16xf32>
        %swap3A_372 = arith.index_cast %scan3A_315 : i32 to index
        %swap3A_373 = arith.constant 96 : index
        %swap3A_374 = tpu.vector_load %arg9[%swap3A_372, %swap3A_373] {strides = array<i32>} : memref<200x128xf32, #tpu.memory_space<vmem>>, vector<1x16xf32>,
        %swap3A_375 = vector.shape_cast %swap3A_374 : vector<1x16xf32> to vector<16xf32>
        %swap3A_376 = vector.shape_cast %get3A_371 : vector<16xf32> to vector<1x16xf32>
        tpu.vector_store %arg9[%swap3A_372, %swap3A_373], %swap3A_376 {add = true, strides = array<i32>} : memref<200x128xf32, #tpu.memory_space<vmem>>, vector<1x16xf32>,
        %get3A_377 = arith.index_cast %scan3A_315 : i32 to index
        %get3A_378 = arith.constant 112 : index
        %get3A_379 = tpu.vector_load %arg7[%get3A_377, %get3A_378] {strides = array<i32>} : memref<200x128xf32, #tpu.memory_space<vmem>>, vector<1x16xf32>,
        %get3A_380 = vector.shape_cast %get3A_379 : vector<1x16xf32> to vector<16xf32>
        %swap3A_381 = arith.index_cast %scan3A_315 : i32 to index
        %swap3A_382 = arith.constant 112 : index
        %swap3A_383 = tpu.vector_load %arg9[%swap3A_381, %swap3A_382] {strides = array<i32>} : memref<200x128xf32, #tpu.memory_space<vmem>>, vector<1x16xf32>,
        %swap3A_384 = vector.shape_cast %swap3A_383 : vector<1x16xf32> to vector<16xf32>
        %swap3A_385 = vector.shape_cast %get3A_380 : vector<16xf32> to vector<1x16xf32>
        tpu.vector_store %arg9[%swap3A_381, %swap3A_382], %swap3A_385 {add = true, strides = array<i32>} : memref<200x128xf32, #tpu.memory_space<vmem>>, vector<1x16xf32>,
      }
      %scan3A_194 = arith.constant 40 : i32
      %mul3A_195 = arith.constant 200 : i32
      %mul3A_196 = arith.muli %add3A_168, %mul3A_195 : i32
      %add3A_197 = arith.addi %mul3A_2, %mul3A_196 : i32
      %add3A_198 = arith.constant 0 : i32
      %add3A_199 = arith.addi %add3A_197, %add3A_198 : i32
      %dma_start3A_200 = arith.constant 0 : i32
      %dma_start3A_201 = arith.constant 0 : i32
      %dma_start3A_202 = tpu.memref_slice %arg9[%dma_start3A_200, %dma_start3A_201] : memref<200x128xf32, #tpu.memory_space<vmem>> -> memref<40x128xf32, #tpu.memory_space<vmem>>
      %dma_start3A_203 = arith.constant 0 : i32
      %dma_start3A_204 = tpu.memref_slice %arg5[%add3A_199, %dma_start3A_203] : memref<819200x128xf32, #tpu.memory_space<hbm>> -> memref<40x128xf32, #tpu.memory_space<hbm>>
      %dma_start3A_205 = arith.constant 0 : i32
      %dma_start3A_206 = tpu.memref_slice %arg5[%add3A_199, %dma_start3A_205] : memref<819200x128xf32, #tpu.memory_space<hbm>> -> memref<40x128xf32, #tpu.memory_space<hbm>>
      %dma_start3A_207 = arith.constant 0 : i32
      %dma_start3A_208 = arith.constant 0 : i32
      %dma_start3A_209 = tpu.memref_slice %arg9[%dma_start3A_207, %dma_start3A_208] : memref<200x128xf32, #tpu.memory_space<vmem>> -> memref<40x128xf32, #tpu.memory_space<vmem>>
      tpu.enqueue_dma source(%dma_start3A_209 : memref<40x128xf32, #tpu.memory_space<vmem>>) target(%dma_start3A_206 : memref<40x128xf32, #tpu.memory_space<hbm>>) target_semaphore(%arg13 : memref<!tpu.dma_semaphore, #tpu.memory_space<semaphore_mem>>)
      %scan3A_210 = arith.constant 0 : i32
      %scan3A_211 = arith.constant 40 : i32
      %scan3A_212 = arith.constant 32 : i32
      %scan3A_213 = arith.addi %scan3A_211, %scan3A_212 : i32
      %scan3A_214 = arith.constant 1 : i32
      scf.for %scan3A_315 = %scan3A_211 to %scan3A_213 step %scan3A_214  : i32 {
        %get3A = arith.index_cast %scan3A_315 : i32 to index
        %get3A_316 = arith.constant 0 : index
        %get3A_317 = tpu.vector_load %arg7[%get3A, %get3A_316] {strides = array<i32>} : memref<200x128xf32, #tpu.memory_space<vmem>>, vector<1x16xf32>,
        %get3A_318 = vector.shape_cast %get3A_317 : vector<1x16xf32> to vector<16xf32>
        %swap3A = arith.index_cast %scan3A_315 : i32 to index
        %swap3A_319 = arith.constant 0 : index
        %swap3A_320 = tpu.vector_load %arg9[%swap3A, %swap3A_319] {strides = array<i32>} : memref<200x128xf32, #tpu.memory_space<vmem>>, vector<1x16xf32>,
        %swap3A_321 = vector.shape_cast %swap3A_320 : vector<1x16xf32> to vector<16xf32>
        %swap3A_322 = vector.shape_cast %get3A_318 : vector<16xf32> to vector<1x16xf32>
        tpu.vector_store %arg9[%swap3A, %swap3A_319], %swap3A_322 {add = true, strides = array<i32>} : memref<200x128xf32, #tpu.memory_space<vmem>>, vector<1x16xf32>,
        %get3A_323 = arith.index_cast %scan3A_315 : i32 to index
        %get3A_324 = arith.constant 16 : index
        %get3A_325 = tpu.vector_load %arg7[%get3A_323, %get3A_324] {strides = array<i32>} : memref<200x128xf32, #tpu.memory_space<vmem>>, vector<1x16xf32>,
        %get3A_326 = vector.shape_cast %get3A_325 : vector<1x16xf32> to vector<16xf32>
        %swap3A_327 = arith.index_cast %scan3A_315 : i32 to index
        %swap3A_328 = arith.constant 16 : index
        %swap3A_329 = tpu.vector_load %arg9[%swap3A_327, %swap3A_328] {strides = array<i32>} : memref<200x128xf32, #tpu.memory_space<vmem>>, vector<1x16xf32>,
        %swap3A_330 = vector.shape_cast %swap3A_329 : vector<1x16xf32> to vector<16xf32>
        %swap3A_331 = vector.shape_cast %get3A_326 : vector<16xf32> to vector<1x16xf32>
        tpu.vector_store %arg9[%swap3A_327, %swap3A_328], %swap3A_331 {add = true, strides = array<i32>} : memref<200x128xf32, #tpu.memory_space<vmem>>, vector<1x16xf32>,
        %get3A_332 = arith.index_cast %scan3A_315 : i32 to index
        %get3A_333 = arith.constant 32 : index
        %get3A_334 = tpu.vector_load %arg7[%get3A_332, %get3A_333] {strides = array<i32>} : memref<200x128xf32, #tpu.memory_space<vmem>>, vector<1x16xf32>,
        %get3A_335 = vector.shape_cast %get3A_334 : vector<1x16xf32> to vector<16xf32>
        %swap3A_336 = arith.index_cast %scan3A_315 : i32 to index
        %swap3A_337 = arith.constant 32 : index
        %swap3A_338 = tpu.vector_load %arg9[%swap3A_336, %swap3A_337] {strides = array<i32>} : memref<200x128xf32, #tpu.memory_space<vmem>>, vector<1x16xf32>,
        %swap3A_339 = vector.shape_cast %swap3A_338 : vector<1x16xf32> to vector<16xf32>
        %swap3A_340 = vector.shape_cast %get3A_335 : vector<16xf32> to vector<1x16xf32>
        tpu.vector_store %arg9[%swap3A_336, %swap3A_337], %swap3A_340 {add = true, strides = array<i32>} : memref<200x128xf32, #tpu.memory_space<vmem>>, vector<1x16xf32>,
        %get3A_341 = arith.index_cast %scan3A_315 : i32 to index
        %get3A_342 = arith.constant 48 : index
        %get3A_343 = tpu.vector_load %arg7[%get3A_341, %get3A_342] {strides = array<i32>} : memref<200x128xf32, #tpu.memory_space<vmem>>, vector<1x16xf32>,
        %get3A_344 = vector.shape_cast %get3A_343 : vector<1x16xf32> to vector<16xf32>
        %swap3A_345 = arith.index_cast %scan3A_315 : i32 to index
        %swap3A_346 = arith.constant 48 : index
        %swap3A_347 = tpu.vector_load %arg9[%swap3A_345, %swap3A_346] {strides = array<i32>} : memref<200x128xf32, #tpu.memory_space<vmem>>, vector<1x16xf32>,
        %swap3A_348 = vector.shape_cast %swap3A_347 : vector<1x16xf32> to vector<16xf32>
        %swap3A_349 = vector.shape_cast %get3A_344 : vector<16xf32> to vector<1x16xf32>
        tpu.vector_store %arg9[%swap3A_345, %swap3A_346], %swap3A_349 {add = true, strides = array<i32>} : memref<200x128xf32, #tpu.memory_space<vmem>>, vector<1x16xf32>,
        %get3A_350 = arith.index_cast %scan3A_315 : i32 to index
        %get3A_351 = arith.constant 64 : index
        %get3A_352 = tpu.vector_load %arg7[%get3A_350, %get3A_351] {strides = array<i32>} : memref<200x128xf32, #tpu.memory_space<vmem>>, vector<1x16xf32>,
        %get3A_353 = vector.shape_cast %get3A_352 : vector<1x16xf32> to vector<16xf32>
        %swap3A_354 = arith.index_cast %scan3A_315 : i32 to index
        %swap3A_355 = arith.constant 64 : index
        %swap3A_356 = tpu.vector_load %arg9[%swap3A_354, %swap3A_355] {strides = array<i32>} : memref<200x128xf32, #tpu.memory_space<vmem>>, vector<1x16xf32>,
        %swap3A_357 = vector.shape_cast %swap3A_356 : vector<1x16xf32> to vector<16xf32>
        %swap3A_358 = vector.shape_cast %get3A_353 : vector<16xf32> to vector<1x16xf32>
        tpu.vector_store %arg9[%swap3A_354, %swap3A_355], %swap3A_358 {add = true, strides = array<i32>} : memref<200x128xf32, #tpu.memory_space<vmem>>, vector<1x16xf32>,
        %get3A_359 = arith.index_cast %scan3A_315 : i32 to index
        %get3A_360 = arith.constant 80 : index
        %get3A_361 = tpu.vector_load %arg7[%get3A_359, %get3A_360] {strides = array<i32>} : memref<200x128xf32, #tpu.memory_space<vmem>>, vector<1x16xf32>,
        %get3A_362 = vector.shape_cast %get3A_361 : vector<1x16xf32> to vector<16xf32>
        %swap3A_363 = arith.index_cast %scan3A_315 : i32 to index
        %swap3A_364 = arith.constant 80 : index
        %swap3A_365 = tpu.vector_load %arg9[%swap3A_363, %swap3A_364] {strides = array<i32>} : memref<200x128xf32, #tpu.memory_space<vmem>>, vector<1x16xf32>,
        %swap3A_366 = vector.shape_cast %swap3A_365 : vector<1x16xf32> to vector<16xf32>
        %swap3A_367 = vector.shape_cast %get3A_362 : vector<16xf32> to vector<1x16xf32>
        tpu.vector_store %arg9[%swap3A_363, %swap3A_364], %swap3A_367 {add = true, strides = array<i32>} : memref<200x128xf32, #tpu.memory_space<vmem>>, vector<1x16xf32>,
        %get3A_368 = arith.index_cast %scan3A_315 : i32 to index
        %get3A_369 = arith.constant 96 : index
        %get3A_370 = tpu.vector_load %arg7[%get3A_368, %get3A_369] {strides = array<i32>} : memref<200x128xf32, #tpu.memory_space<vmem>>, vector<1x16xf32>,
        %get3A_371 = vector.shape_cast %get3A_370 : vector<1x16xf32> to vector<16xf32>
        %swap3A_372 = arith.index_cast %scan3A_315 : i32 to index
        %swap3A_373 = arith.constant 96 : index
        %swap3A_374 = tpu.vector_load %arg9[%swap3A_372, %swap3A_373] {strides = array<i32>} : memref<200x128xf32, #tpu.memory_space<vmem>>, vector<1x16xf32>,
        %swap3A_375 = vector.shape_cast %swap3A_374 : vector<1x16xf32> to vector<16xf32>
        %swap3A_376 = vector.shape_cast %get3A_371 : vector<16xf32> to vector<1x16xf32>
        tpu.vector_store %arg9[%swap3A_372, %swap3A_373], %swap3A_376 {add = true, strides = array<i32>} : memref<200x128xf32, #tpu.memory_space<vmem>>, vector<1x16xf32>,
        %get3A_377 = arith.index_cast %scan3A_315 : i32 to index
        %get3A_378 = arith.constant 112 : index
        %get3A_379 = tpu.vector_load %arg7[%get3A_377, %get3A_378] {strides = array<i32>} : memref<200x128xf32, #tpu.memory_space<vmem>>, vector<1x16xf32>,
        %get3A_380 = vector.shape_cast %get3A_379 : vector<1x16xf32> to vector<16xf32>
        %swap3A_381 = arith.index_cast %scan3A_315 : i32 to index
        %swap3A_382 = arith.constant 112 : index
        %swap3A_383 = tpu.vector_load %arg9[%swap3A_381, %swap3A_382] {strides = array<i32>} : memref<200x128xf32, #tpu.memory_space<vmem>>, vector<1x16xf32>,
        %swap3A_384 = vector.shape_cast %swap3A_383 : vector<1x16xf32> to vector<16xf32>
        %swap3A_385 = vector.shape_cast %get3A_380 : vector<16xf32> to vector<1x16xf32>
        tpu.vector_store %arg9[%swap3A_381, %swap3A_382], %swap3A_385 {add = true, strides = array<i32>} : memref<200x128xf32, #tpu.memory_space<vmem>>, vector<1x16xf32>,
      }
      %scan3A_215 = arith.constant 32 : i32
      %mul3A_216 = arith.constant 200 : i32
      %mul3A_217 = arith.muli %add3A_168, %mul3A_216 : i32
      %add3A_218 = arith.addi %mul3A_2, %mul3A_217 : i32
      %add3A_219 = arith.constant 40 : i32
      %add3A_220 = arith.addi %add3A_218, %add3A_219 : i32
      %dma_start3A_221 = arith.constant 40 : i32
      %dma_start3A_222 = arith.constant 0 : i32
      %dma_start3A_223 = tpu.memref_slice %arg9[%dma_start3A_221, %dma_start3A_222] : memref<200x128xf32, #tpu.memory_space<vmem>> -> memref<32x128xf32, #tpu.memory_space<vmem>>
      %dma_start3A_224 = arith.constant 0 : i32
      %dma_start3A_225 = tpu.memref_slice %arg5[%add3A_220, %dma_start3A_224] : memref<819200x128xf32, #tpu.memory_space<hbm>> -> memref<32x128xf32, #tpu.memory_space<hbm>>
      %dma_start3A_226 = arith.constant 0 : i32
      %dma_start3A_227 = tpu.memref_slice %arg5[%add3A_220, %dma_start3A_226] : memref<819200x128xf32, #tpu.memory_space<hbm>> -> memref<32x128xf32, #tpu.memory_space<hbm>>
      %dma_start3A_228 = arith.constant 40 : i32
      %dma_start3A_229 = arith.constant 0 : i32
      %dma_start3A_230 = tpu.memref_slice %arg9[%dma_start3A_228, %dma_start3A_229] : memref<200x128xf32, #tpu.memory_space<vmem>> -> memref<32x128xf32, #tpu.memory_space<vmem>>
      tpu.enqueue_dma source(%dma_start3A_230 : memref<32x128xf32, #tpu.memory_space<vmem>>) target(%dma_start3A_227 : memref<32x128xf32, #tpu.memory_space<hbm>>) target_semaphore(%arg13 : memref<!tpu.dma_semaphore, #tpu.memory_space<semaphore_mem>>)
      %scan3A_231 = arith.constant 0 : i32
      %scan3A_232 = arith.constant 72 : i32
      %scan3A_233 = arith.constant 32 : i32
      %scan3A_234 = arith.addi %scan3A_232, %scan3A_233 : i32
      %scan3A_235 = arith.constant 1 : i32
      scf.for %scan3A_315 = %scan3A_232 to %scan3A_234 step %scan3A_235  : i32 {
        %get3A = arith.index_cast %scan3A_315 : i32 to index
        %get3A_316 = arith.constant 0 : index
        %get3A_317 = tpu.vector_load %arg7[%get3A, %get3A_316] {strides = array<i32>} : memref<200x128xf32, #tpu.memory_space<vmem>>, vector<1x16xf32>,
        %get3A_318 = vector.shape_cast %get3A_317 : vector<1x16xf32> to vector<16xf32>
        %swap3A = arith.index_cast %scan3A_315 : i32 to index
        %swap3A_319 = arith.constant 0 : index
        %swap3A_320 = tpu.vector_load %arg9[%swap3A, %swap3A_319] {strides = array<i32>} : memref<200x128xf32, #tpu.memory_space<vmem>>, vector<1x16xf32>,
        %swap3A_321 = vector.shape_cast %swap3A_320 : vector<1x16xf32> to vector<16xf32>
        %swap3A_322 = vector.shape_cast %get3A_318 : vector<16xf32> to vector<1x16xf32>
        tpu.vector_store %arg9[%swap3A, %swap3A_319], %swap3A_322 {add = true, strides = array<i32>} : memref<200x128xf32, #tpu.memory_space<vmem>>, vector<1x16xf32>,
        %get3A_323 = arith.index_cast %scan3A_315 : i32 to index
        %get3A_324 = arith.constant 16 : index
        %get3A_325 = tpu.vector_load %arg7[%get3A_323, %get3A_324] {strides = array<i32>} : memref<200x128xf32, #tpu.memory_space<vmem>>, vector<1x16xf32>,
        %get3A_326 = vector.shape_cast %get3A_325 : vector<1x16xf32> to vector<16xf32>
        %swap3A_327 = arith.index_cast %scan3A_315 : i32 to index
        %swap3A_328 = arith.constant 16 : index
        %swap3A_329 = tpu.vector_load %arg9[%swap3A_327, %swap3A_328] {strides = array<i32>} : memref<200x128xf32, #tpu.memory_space<vmem>>, vector<1x16xf32>,
        %swap3A_330 = vector.shape_cast %swap3A_329 : vector<1x16xf32> to vector<16xf32>
        %swap3A_331 = vector.shape_cast %get3A_326 : vector<16xf32> to vector<1x16xf32>
        tpu.vector_store %arg9[%swap3A_327, %swap3A_328], %swap3A_331 {add = true, strides = array<i32>} : memref<200x128xf32, #tpu.memory_space<vmem>>, vector<1x16xf32>,
        %get3A_332 = arith.index_cast %scan3A_315 : i32 to index
        %get3A_333 = arith.constant 32 : index
        %get3A_334 = tpu.vector_load %arg7[%get3A_332, %get3A_333] {strides = array<i32>} : memref<200x128xf32, #tpu.memory_space<vmem>>, vector<1x16xf32>,
        %get3A_335 = vector.shape_cast %get3A_334 : vector<1x16xf32> to vector<16xf32>
        %swap3A_336 = arith.index_cast %scan3A_315 : i32 to index
        %swap3A_337 = arith.constant 32 : index
        %swap3A_338 = tpu.vector_load %arg9[%swap3A_336, %swap3A_337] {strides = array<i32>} : memref<200x128xf32, #tpu.memory_space<vmem>>, vector<1x16xf32>,
        %swap3A_339 = vector.shape_cast %swap3A_338 : vector<1x16xf32> to vector<16xf32>
        %swap3A_340 = vector.shape_cast %get3A_335 : vector<16xf32> to vector<1x16xf32>
        tpu.vector_store %arg9[%swap3A_336, %swap3A_337], %swap3A_340 {add = true, strides = array<i32>} : memref<200x128xf32, #tpu.memory_space<vmem>>, vector<1x16xf32>,
        %get3A_341 = arith.index_cast %scan3A_315 : i32 to index
        %get3A_342 = arith.constant 48 : index
        %get3A_343 = tpu.vector_load %arg7[%get3A_341, %get3A_342] {strides = array<i32>} : memref<200x128xf32, #tpu.memory_space<vmem>>, vector<1x16xf32>,
        %get3A_344 = vector.shape_cast %get3A_343 : vector<1x16xf32> to vector<16xf32>
        %swap3A_345 = arith.index_cast %scan3A_315 : i32 to index
        %swap3A_346 = arith.constant 48 : index
        %swap3A_347 = tpu.vector_load %arg9[%swap3A_345, %swap3A_346] {strides = array<i32>} : memref<200x128xf32, #tpu.memory_space<vmem>>, vector<1x16xf32>,
        %swap3A_348 = vector.shape_cast %swap3A_347 : vector<1x16xf32> to vector<16xf32>
        %swap3A_349 = vector.shape_cast %get3A_344 : vector<16xf32> to vector<1x16xf32>
        tpu.vector_store %arg9[%swap3A_345, %swap3A_346], %swap3A_349 {add = true, strides = array<i32>} : memref<200x128xf32, #tpu.memory_space<vmem>>, vector<1x16xf32>,
        %get3A_350 = arith.index_cast %scan3A_315 : i32 to index
        %get3A_351 = arith.constant 64 : index
        %get3A_352 = tpu.vector_load %arg7[%get3A_350, %get3A_351] {strides = array<i32>} : memref<200x128xf32, #tpu.memory_space<vmem>>, vector<1x16xf32>,
        %get3A_353 = vector.shape_cast %get3A_352 : vector<1x16xf32> to vector<16xf32>
        %swap3A_354 = arith.index_cast %scan3A_315 : i32 to index
        %swap3A_355 = arith.constant 64 : index
        %swap3A_356 = tpu.vector_load %arg9[%swap3A_354, %swap3A_355] {strides = array<i32>} : memref<200x128xf32, #tpu.memory_space<vmem>>, vector<1x16xf32>,
        %swap3A_357 = vector.shape_cast %swap3A_356 : vector<1x16xf32> to vector<16xf32>
        %swap3A_358 = vector.shape_cast %get3A_353 : vector<16xf32> to vector<1x16xf32>
        tpu.vector_store %arg9[%swap3A_354, %swap3A_355], %swap3A_358 {add = true, strides = array<i32>} : memref<200x128xf32, #tpu.memory_space<vmem>>, vector<1x16xf32>,
        %get3A_359 = arith.index_cast %scan3A_315 : i32 to index
        %get3A_360 = arith.constant 80 : index
        %get3A_361 = tpu.vector_load %arg7[%get3A_359, %get3A_360] {strides = array<i32>} : memref<200x128xf32, #tpu.memory_space<vmem>>, vector<1x16xf32>,
        %get3A_362 = vector.shape_cast %get3A_361 : vector<1x16xf32> to vector<16xf32>
        %swap3A_363 = arith.index_cast %scan3A_315 : i32 to index
        %swap3A_364 = arith.constant 80 : index
        %swap3A_365 = tpu.vector_load %arg9[%swap3A_363, %swap3A_364] {strides = array<i32>} : memref<200x128xf32, #tpu.memory_space<vmem>>, vector<1x16xf32>,
        %swap3A_366 = vector.shape_cast %swap3A_365 : vector<1x16xf32> to vector<16xf32>
        %swap3A_367 = vector.shape_cast %get3A_362 : vector<16xf32> to vector<1x16xf32>
        tpu.vector_store %arg9[%swap3A_363, %swap3A_364], %swap3A_367 {add = true, strides = array<i32>} : memref<200x128xf32, #tpu.memory_space<vmem>>, vector<1x16xf32>,
        %get3A_368 = arith.index_cast %scan3A_315 : i32 to index
        %get3A_369 = arith.constant 96 : index
        %get3A_370 = tpu.vector_load %arg7[%get3A_368, %get3A_369] {strides = array<i32>} : memref<200x128xf32, #tpu.memory_space<vmem>>, vector<1x16xf32>,
        %get3A_371 = vector.shape_cast %get3A_370 : vector<1x16xf32> to vector<16xf32>
        %swap3A_372 = arith.index_cast %scan3A_315 : i32 to index
        %swap3A_373 = arith.constant 96 : index
        %swap3A_374 = tpu.vector_load %arg9[%swap3A_372, %swap3A_373] {strides = array<i32>} : memref<200x128xf32, #tpu.memory_space<vmem>>, vector<1x16xf32>,
        %swap3A_375 = vector.shape_cast %swap3A_374 : vector<1x16xf32> to vector<16xf32>
        %swap3A_376 = vector.shape_cast %get3A_371 : vector<16xf32> to vector<1x16xf32>
        tpu.vector_store %arg9[%swap3A_372, %swap3A_373], %swap3A_376 {add = true, strides = array<i32>} : memref<200x128xf32, #tpu.memory_space<vmem>>, vector<1x16xf32>,
        %get3A_377 = arith.index_cast %scan3A_315 : i32 to index
        %get3A_378 = arith.constant 112 : index
        %get3A_379 = tpu.vector_load %arg7[%get3A_377, %get3A_378] {strides = array<i32>} : memref<200x128xf32, #tpu.memory_space<vmem>>, vector<1x16xf32>,
        %get3A_380 = vector.shape_cast %get3A_379 : vector<1x16xf32> to vector<16xf32>
        %swap3A_381 = arith.index_cast %scan3A_315 : i32 to index
        %swap3A_382 = arith.constant 112 : index
        %swap3A_383 = tpu.vector_load %arg9[%swap3A_381, %swap3A_382] {strides = array<i32>} : memref<200x128xf32, #tpu.memory_space<vmem>>, vector<1x16xf32>,
        %swap3A_384 = vector.shape_cast %swap3A_383 : vector<1x16xf32> to vector<16xf32>
        %swap3A_385 = vector.shape_cast %get3A_380 : vector<16xf32> to vector<1x16xf32>
        tpu.vector_store %arg9[%swap3A_381, %swap3A_382], %swap3A_385 {add = true, strides = array<i32>} : memref<200x128xf32, #tpu.memory_space<vmem>>, vector<1x16xf32>,
      }
      %scan3A_236 = arith.constant 32 : i32
      %mul3A_237 = arith.constant 200 : i32
      %mul3A_238 = arith.muli %add3A_168, %mul3A_237 : i32
      %add3A_239 = arith.addi %mul3A_2, %mul3A_238 : i32
      %add3A_240 = arith.constant 72 : i32
      %add3A_241 = arith.addi %add3A_239, %add3A_240 : i32
      %dma_start3A_242 = arith.constant 72 : i32
      %dma_start3A_243 = arith.constant 0 : i32
      %dma_start3A_244 = tpu.memref_slice %arg9[%dma_start3A_242, %dma_start3A_243] : memref<200x128xf32, #tpu.memory_space<vmem>> -> memref<32x128xf32, #tpu.memory_space<vmem>>
      %dma_start3A_245 = arith.constant 0 : i32
      %dma_start3A_246 = tpu.memref_slice %arg5[%add3A_241, %dma_start3A_245] : memref<819200x128xf32, #tpu.memory_space<hbm>> -> memref<32x128xf32, #tpu.memory_space<hbm>>
      %dma_start3A_247 = arith.constant 0 : i32
      %dma_start3A_248 = tpu.memref_slice %arg5[%add3A_241, %dma_start3A_247] : memref<819200x128xf32, #tpu.memory_space<hbm>> -> memref<32x128xf32, #tpu.memory_space<hbm>>
      %dma_start3A_249 = arith.constant 72 : i32
      %dma_start3A_250 = arith.constant 0 : i32
      %dma_start3A_251 = tpu.memref_slice %arg9[%dma_start3A_249, %dma_start3A_250] : memref<200x128xf32, #tpu.memory_space<vmem>> -> memref<32x128xf32, #tpu.memory_space<vmem>>
      tpu.enqueue_dma source(%dma_start3A_251 : memref<32x128xf32, #tpu.memory_space<vmem>>) target(%dma_start3A_248 : memref<32x128xf32, #tpu.memory_space<hbm>>) target_semaphore(%arg13 : memref<!tpu.dma_semaphore, #tpu.memory_space<semaphore_mem>>)
      %scan3A_252 = arith.constant 0 : i32
      %scan3A_253 = arith.constant 104 : i32
      %scan3A_254 = arith.constant 32 : i32
      %scan3A_255 = arith.addi %scan3A_253, %scan3A_254 : i32
      %scan3A_256 = arith.constant 1 : i32
      scf.for %scan3A_315 = %scan3A_253 to %scan3A_255 step %scan3A_256  : i32 {
        %get3A = arith.index_cast %scan3A_315 : i32 to index
        %get3A_316 = arith.constant 0 : index
        %get3A_317 = tpu.vector_load %arg7[%get3A, %get3A_316] {strides = array<i32>} : memref<200x128xf32, #tpu.memory_space<vmem>>, vector<1x16xf32>,
        %get3A_318 = vector.shape_cast %get3A_317 : vector<1x16xf32> to vector<16xf32>
        %swap3A = arith.index_cast %scan3A_315 : i32 to index
        %swap3A_319 = arith.constant 0 : index
        %swap3A_320 = tpu.vector_load %arg9[%swap3A, %swap3A_319] {strides = array<i32>} : memref<200x128xf32, #tpu.memory_space<vmem>>, vector<1x16xf32>,
        %swap3A_321 = vector.shape_cast %swap3A_320 : vector<1x16xf32> to vector<16xf32>
        %swap3A_322 = vector.shape_cast %get3A_318 : vector<16xf32> to vector<1x16xf32>
        tpu.vector_store %arg9[%swap3A, %swap3A_319], %swap3A_322 {add = true, strides = array<i32>} : memref<200x128xf32, #tpu.memory_space<vmem>>, vector<1x16xf32>,
        %get3A_323 = arith.index_cast %scan3A_315 : i32 to index
        %get3A_324 = arith.constant 16 : index
        %get3A_325 = tpu.vector_load %arg7[%get3A_323, %get3A_324] {strides = array<i32>} : memref<200x128xf32, #tpu.memory_space<vmem>>, vector<1x16xf32>,
        %get3A_326 = vector.shape_cast %get3A_325 : vector<1x16xf32> to vector<16xf32>
        %swap3A_327 = arith.index_cast %scan3A_315 : i32 to index
        %swap3A_328 = arith.constant 16 : index
        %swap3A_329 = tpu.vector_load %arg9[%swap3A_327, %swap3A_328] {strides = array<i32>} : memref<200x128xf32, #tpu.memory_space<vmem>>, vector<1x16xf32>,
        %swap3A_330 = vector.shape_cast %swap3A_329 : vector<1x16xf32> to vector<16xf32>
        %swap3A_331 = vector.shape_cast %get3A_326 : vector<16xf32> to vector<1x16xf32>
        tpu.vector_store %arg9[%swap3A_327, %swap3A_328], %swap3A_331 {add = true, strides = array<i32>} : memref<200x128xf32, #tpu.memory_space<vmem>>, vector<1x16xf32>,
        %get3A_332 = arith.index_cast %scan3A_315 : i32 to index
        %get3A_333 = arith.constant 32 : index
        %get3A_334 = tpu.vector_load %arg7[%get3A_332, %get3A_333] {strides = array<i32>} : memref<200x128xf32, #tpu.memory_space<vmem>>, vector<1x16xf32>,
        %get3A_335 = vector.shape_cast %get3A_334 : vector<1x16xf32> to vector<16xf32>
        %swap3A_336 = arith.index_cast %scan3A_315 : i32 to index
        %swap3A_337 = arith.constant 32 : index
        %swap3A_338 = tpu.vector_load %arg9[%swap3A_336, %swap3A_337] {strides = array<i32>} : memref<200x128xf32, #tpu.memory_space<vmem>>, vector<1x16xf32>,
        %swap3A_339 = vector.shape_cast %swap3A_338 : vector<1x16xf32> to vector<16xf32>
        %swap3A_340 = vector.shape_cast %get3A_335 : vector<16xf32> to vector<1x16xf32>
        tpu.vector_store %arg9[%swap3A_336, %swap3A_337], %swap3A_340 {add = true, strides = array<i32>} : memref<200x128xf32, #tpu.memory_space<vmem>>, vector<1x16xf32>,
        %get3A_341 = arith.index_cast %scan3A_315 : i32 to index
        %get3A_342 = arith.constant 48 : index
        %get3A_343 = tpu.vector_load %arg7[%get3A_341, %get3A_342] {strides = array<i32>} : memref<200x128xf32, #tpu.memory_space<vmem>>, vector<1x16xf32>,
        %get3A_344 = vector.shape_cast %get3A_343 : vector<1x16xf32> to vector<16xf32>
        %swap3A_345 = arith.index_cast %scan3A_315 : i32 to index
        %swap3A_346 = arith.constant 48 : index
        %swap3A_347 = tpu.vector_load %arg9[%swap3A_345, %swap3A_346] {strides = array<i32>} : memref<200x128xf32, #tpu.memory_space<vmem>>, vector<1x16xf32>,
        %swap3A_348 = vector.shape_cast %swap3A_347 : vector<1x16xf32> to vector<16xf32>
        %swap3A_349 = vector.shape_cast %get3A_344 : vector<16xf32> to vector<1x16xf32>
        tpu.vector_store %arg9[%swap3A_345, %swap3A_346], %swap3A_349 {add = true, strides = array<i32>} : memref<200x128xf32, #tpu.memory_space<vmem>>, vector<1x16xf32>,
        %get3A_350 = arith.index_cast %scan3A_315 : i32 to index
        %get3A_351 = arith.constant 64 : index
        %get3A_352 = tpu.vector_load %arg7[%get3A_350, %get3A_351] {strides = array<i32>} : memref<200x128xf32, #tpu.memory_space<vmem>>, vector<1x16xf32>,
        %get3A_353 = vector.shape_cast %get3A_352 : vector<1x16xf32> to vector<16xf32>
        %swap3A_354 = arith.index_cast %scan3A_315 : i32 to index
        %swap3A_355 = arith.constant 64 : index
        %swap3A_356 = tpu.vector_load %arg9[%swap3A_354, %swap3A_355] {strides = array<i32>} : memref<200x128xf32, #tpu.memory_space<vmem>>, vector<1x16xf32>,
        %swap3A_357 = vector.shape_cast %swap3A_356 : vector<1x16xf32> to vector<16xf32>
        %swap3A_358 = vector.shape_cast %get3A_353 : vector<16xf32> to vector<1x16xf32>
        tpu.vector_store %arg9[%swap3A_354, %swap3A_355], %swap3A_358 {add = true, strides = array<i32>} : memref<200x128xf32, #tpu.memory_space<vmem>>, vector<1x16xf32>,
        %get3A_359 = arith.index_cast %scan3A_315 : i32 to index
        %get3A_360 = arith.constant 80 : index
        %get3A_361 = tpu.vector_load %arg7[%get3A_359, %get3A_360] {strides = array<i32>} : memref<200x128xf32, #tpu.memory_space<vmem>>, vector<1x16xf32>,
        %get3A_362 = vector.shape_cast %get3A_361 : vector<1x16xf32> to vector<16xf32>
        %swap3A_363 = arith.index_cast %scan3A_315 : i32 to index
        %swap3A_364 = arith.constant 80 : index
        %swap3A_365 = tpu.vector_load %arg9[%swap3A_363, %swap3A_364] {strides = array<i32>} : memref<200x128xf32, #tpu.memory_space<vmem>>, vector<1x16xf32>,
        %swap3A_366 = vector.shape_cast %swap3A_365 : vector<1x16xf32> to vector<16xf32>
        %swap3A_367 = vector.shape_cast %get3A_362 : vector<16xf32> to vector<1x16xf32>
        tpu.vector_store %arg9[%swap3A_363, %swap3A_364], %swap3A_367 {add = true, strides = array<i32>} : memref<200x128xf32, #tpu.memory_space<vmem>>, vector<1x16xf32>,
        %get3A_368 = arith.index_cast %scan3A_315 : i32 to index
        %get3A_369 = arith.constant 96 : index
        %get3A_370 = tpu.vector_load %arg7[%get3A_368, %get3A_369] {strides = array<i32>} : memref<200x128xf32, #tpu.memory_space<vmem>>, vector<1x16xf32>,
        %get3A_371 = vector.shape_cast %get3A_370 : vector<1x16xf32> to vector<16xf32>
        %swap3A_372 = arith.index_cast %scan3A_315 : i32 to index
        %swap3A_373 = arith.constant 96 : index
        %swap3A_374 = tpu.vector_load %arg9[%swap3A_372, %swap3A_373] {strides = array<i32>} : memref<200x128xf32, #tpu.memory_space<vmem>>, vector<1x16xf32>,
        %swap3A_375 = vector.shape_cast %swap3A_374 : vector<1x16xf32> to vector<16xf32>
        %swap3A_376 = vector.shape_cast %get3A_371 : vector<16xf32> to vector<1x16xf32>
        tpu.vector_store %arg9[%swap3A_372, %swap3A_373], %swap3A_376 {add = true, strides = array<i32>} : memref<200x128xf32, #tpu.memory_space<vmem>>, vector<1x16xf32>,
        %get3A_377 = arith.index_cast %scan3A_315 : i32 to index
        %get3A_378 = arith.constant 112 : index
        %get3A_379 = tpu.vector_load %arg7[%get3A_377, %get3A_378] {strides = array<i32>} : memref<200x128xf32, #tpu.memory_space<vmem>>, vector<1x16xf32>,
        %get3A_380 = vector.shape_cast %get3A_379 : vector<1x16xf32> to vector<16xf32>
        %swap3A_381 = arith.index_cast %scan3A_315 : i32 to index
        %swap3A_382 = arith.constant 112 : index
        %swap3A_383 = tpu.vector_load %arg9[%swap3A_381, %swap3A_382] {strides = array<i32>} : memref<200x128xf32, #tpu.memory_space<vmem>>, vector<1x16xf32>,
        %swap3A_384 = vector.shape_cast %swap3A_383 : vector<1x16xf32> to vector<16xf32>
        %swap3A_385 = vector.shape_cast %get3A_380 : vector<16xf32> to vector<1x16xf32>
        tpu.vector_store %arg9[%swap3A_381, %swap3A_382], %swap3A_385 {add = true, strides = array<i32>} : memref<200x128xf32, #tpu.memory_space<vmem>>, vector<1x16xf32>,
      }
      %scan3A_257 = arith.constant 32 : i32
      %mul3A_258 = arith.constant 200 : i32
      %mul3A_259 = arith.muli %add3A_168, %mul3A_258 : i32
      %add3A_260 = arith.addi %mul3A_2, %mul3A_259 : i32
      %add3A_261 = arith.constant 104 : i32
      %add3A_262 = arith.addi %add3A_260, %add3A_261 : i32
      %dma_start3A_263 = arith.constant 104 : i32
      %dma_start3A_264 = arith.constant 0 : i32
      %dma_start3A_265 = tpu.memref_slice %arg9[%dma_start3A_263, %dma_start3A_264] : memref<200x128xf32, #tpu.memory_space<vmem>> -> memref<32x128xf32, #tpu.memory_space<vmem>>
      %dma_start3A_266 = arith.constant 0 : i32
      %dma_start3A_267 = tpu.memref_slice %arg5[%add3A_262, %dma_start3A_266] : memref<819200x128xf32, #tpu.memory_space<hbm>> -> memref<32x128xf32, #tpu.memory_space<hbm>>
      %dma_start3A_268 = arith.constant 0 : i32
      %dma_start3A_269 = tpu.memref_slice %arg5[%add3A_262, %dma_start3A_268] : memref<819200x128xf32, #tpu.memory_space<hbm>> -> memref<32x128xf32, #tpu.memory_space<hbm>>
      %dma_start3A_270 = arith.constant 104 : i32
      %dma_start3A_271 = arith.constant 0 : i32
      %dma_start3A_272 = tpu.memref_slice %arg9[%dma_start3A_270, %dma_start3A_271] : memref<200x128xf32, #tpu.memory_space<vmem>> -> memref<32x128xf32, #tpu.memory_space<vmem>>
      tpu.enqueue_dma source(%dma_start3A_272 : memref<32x128xf32, #tpu.memory_space<vmem>>) target(%dma_start3A_269 : memref<32x128xf32, #tpu.memory_space<hbm>>) target_semaphore(%arg13 : memref<!tpu.dma_semaphore, #tpu.memory_space<semaphore_mem>>)
      %scan3A_273 = arith.constant 0 : i32
      %scan3A_274 = arith.constant 136 : i32
      %scan3A_275 = arith.constant 32 : i32
      %scan3A_276 = arith.addi %scan3A_274, %scan3A_275 : i32
      %scan3A_277 = arith.constant 1 : i32
      scf.for %scan3A_315 = %scan3A_274 to %scan3A_276 step %scan3A_277  : i32 {
        %get3A = arith.index_cast %scan3A_315 : i32 to index
        %get3A_316 = arith.constant 0 : index
        %get3A_317 = tpu.vector_load %arg7[%get3A, %get3A_316] {strides = array<i32>} : memref<200x128xf32, #tpu.memory_space<vmem>>, vector<1x16xf32>,
        %get3A_318 = vector.shape_cast %get3A_317 : vector<1x16xf32> to vector<16xf32>
        %swap3A = arith.index_cast %scan3A_315 : i32 to index
        %swap3A_319 = arith.constant 0 : index
        %swap3A_320 = tpu.vector_load %arg9[%swap3A, %swap3A_319] {strides = array<i32>} : memref<200x128xf32, #tpu.memory_space<vmem>>, vector<1x16xf32>,
        %swap3A_321 = vector.shape_cast %swap3A_320 : vector<1x16xf32> to vector<16xf32>
        %swap3A_322 = vector.shape_cast %get3A_318 : vector<16xf32> to vector<1x16xf32>
        tpu.vector_store %arg9[%swap3A, %swap3A_319], %swap3A_322 {add = true, strides = array<i32>} : memref<200x128xf32, #tpu.memory_space<vmem>>, vector<1x16xf32>,
        %get3A_323 = arith.index_cast %scan3A_315 : i32 to index
        %get3A_324 = arith.constant 16 : index
        %get3A_325 = tpu.vector_load %arg7[%get3A_323, %get3A_324] {strides = array<i32>} : memref<200x128xf32, #tpu.memory_space<vmem>>, vector<1x16xf32>,
        %get3A_326 = vector.shape_cast %get3A_325 : vector<1x16xf32> to vector<16xf32>
        %swap3A_327 = arith.index_cast %scan3A_315 : i32 to index
        %swap3A_328 = arith.constant 16 : index
        %swap3A_329 = tpu.vector_load %arg9[%swap3A_327, %swap3A_328] {strides = array<i32>} : memref<200x128xf32, #tpu.memory_space<vmem>>, vector<1x16xf32>,
        %swap3A_330 = vector.shape_cast %swap3A_329 : vector<1x16xf32> to vector<16xf32>
        %swap3A_331 = vector.shape_cast %get3A_326 : vector<16xf32> to vector<1x16xf32>
        tpu.vector_store %arg9[%swap3A_327, %swap3A_328], %swap3A_331 {add = true, strides = array<i32>} : memref<200x128xf32, #tpu.memory_space<vmem>>, vector<1x16xf32>,
        %get3A_332 = arith.index_cast %scan3A_315 : i32 to index
        %get3A_333 = arith.constant 32 : index
        %get3A_334 = tpu.vector_load %arg7[%get3A_332, %get3A_333] {strides = array<i32>} : memref<200x128xf32, #tpu.memory_space<vmem>>, vector<1x16xf32>,
        %get3A_335 = vector.shape_cast %get3A_334 : vector<1x16xf32> to vector<16xf32>
        %swap3A_336 = arith.index_cast %scan3A_315 : i32 to index
        %swap3A_337 = arith.constant 32 : index
        %swap3A_338 = tpu.vector_load %arg9[%swap3A_336, %swap3A_337] {strides = array<i32>} : memref<200x128xf32, #tpu.memory_space<vmem>>, vector<1x16xf32>,
        %swap3A_339 = vector.shape_cast %swap3A_338 : vector<1x16xf32> to vector<16xf32>
        %swap3A_340 = vector.shape_cast %get3A_335 : vector<16xf32> to vector<1x16xf32>
        tpu.vector_store %arg9[%swap3A_336, %swap3A_337], %swap3A_340 {add = true, strides = array<i32>} : memref<200x128xf32, #tpu.memory_space<vmem>>, vector<1x16xf32>,
        %get3A_341 = arith.index_cast %scan3A_315 : i32 to index
        %get3A_342 = arith.constant 48 : index
        %get3A_343 = tpu.vector_load %arg7[%get3A_341, %get3A_342] {strides = array<i32>} : memref<200x128xf32, #tpu.memory_space<vmem>>, vector<1x16xf32>,
        %get3A_344 = vector.shape_cast %get3A_343 : vector<1x16xf32> to vector<16xf32>
        %swap3A_345 = arith.index_cast %scan3A_315 : i32 to index
        %swap3A_346 = arith.constant 48 : index
        %swap3A_347 = tpu.vector_load %arg9[%swap3A_345, %swap3A_346] {strides = array<i32>} : memref<200x128xf32, #tpu.memory_space<vmem>>, vector<1x16xf32>,
        %swap3A_348 = vector.shape_cast %swap3A_347 : vector<1x16xf32> to vector<16xf32>
        %swap3A_349 = vector.shape_cast %get3A_344 : vector<16xf32> to vector<1x16xf32>
        tpu.vector_store %arg9[%swap3A_345, %swap3A_346], %swap3A_349 {add = true, strides = array<i32>} : memref<200x128xf32, #tpu.memory_space<vmem>>, vector<1x16xf32>,
        %get3A_350 = arith.index_cast %scan3A_315 : i32 to index
        %get3A_351 = arith.constant 64 : index
        %get3A_352 = tpu.vector_load %arg7[%get3A_350, %get3A_351] {strides = array<i32>} : memref<200x128xf32, #tpu.memory_space<vmem>>, vector<1x16xf32>,
        %get3A_353 = vector.shape_cast %get3A_352 : vector<1x16xf32> to vector<16xf32>
        %swap3A_354 = arith.index_cast %scan3A_315 : i32 to index
        %swap3A_355 = arith.constant 64 : index
        %swap3A_356 = tpu.vector_load %arg9[%swap3A_354, %swap3A_355] {strides = array<i32>} : memref<200x128xf32, #tpu.memory_space<vmem>>, vector<1x16xf32>,
        %swap3A_357 = vector.shape_cast %swap3A_356 : vector<1x16xf32> to vector<16xf32>
        %swap3A_358 = vector.shape_cast %get3A_353 : vector<16xf32> to vector<1x16xf32>
        tpu.vector_store %arg9[%swap3A_354, %swap3A_355], %swap3A_358 {add = true, strides = array<i32>} : memref<200x128xf32, #tpu.memory_space<vmem>>, vector<1x16xf32>,
        %get3A_359 = arith.index_cast %scan3A_315 : i32 to index
        %get3A_360 = arith.constant 80 : index
        %get3A_361 = tpu.vector_load %arg7[%get3A_359, %get3A_360] {strides = array<i32>} : memref<200x128xf32, #tpu.memory_space<vmem>>, vector<1x16xf32>,
        %get3A_362 = vector.shape_cast %get3A_361 : vector<1x16xf32> to vector<16xf32>
        %swap3A_363 = arith.index_cast %scan3A_315 : i32 to index
        %swap3A_364 = arith.constant 80 : index
        %swap3A_365 = tpu.vector_load %arg9[%swap3A_363, %swap3A_364] {strides = array<i32>} : memref<200x128xf32, #tpu.memory_space<vmem>>, vector<1x16xf32>,
        %swap3A_366 = vector.shape_cast %swap3A_365 : vector<1x16xf32> to vector<16xf32>
        %swap3A_367 = vector.shape_cast %get3A_362 : vector<16xf32> to vector<1x16xf32>
        tpu.vector_store %arg9[%swap3A_363, %swap3A_364], %swap3A_367 {add = true, strides = array<i32>} : memref<200x128xf32, #tpu.memory_space<vmem>>, vector<1x16xf32>,
        %get3A_368 = arith.index_cast %scan3A_315 : i32 to index
        %get3A_369 = arith.constant 96 : index
        %get3A_370 = tpu.vector_load %arg7[%get3A_368, %get3A_369] {strides = array<i32>} : memref<200x128xf32, #tpu.memory_space<vmem>>, vector<1x16xf32>,
        %get3A_371 = vector.shape_cast %get3A_370 : vector<1x16xf32> to vector<16xf32>
        %swap3A_372 = arith.index_cast %scan3A_315 : i32 to index
        %swap3A_373 = arith.constant 96 : index
        %swap3A_374 = tpu.vector_load %arg9[%swap3A_372, %swap3A_373] {strides = array<i32>} : memref<200x128xf32, #tpu.memory_space<vmem>>, vector<1x16xf32>,
        %swap3A_375 = vector.shape_cast %swap3A_374 : vector<1x16xf32> to vector<16xf32>
        %swap3A_376 = vector.shape_cast %get3A_371 : vector<16xf32> to vector<1x16xf32>
        tpu.vector_store %arg9[%swap3A_372, %swap3A_373], %swap3A_376 {add = true, strides = array<i32>} : memref<200x128xf32, #tpu.memory_space<vmem>>, vector<1x16xf32>,
        %get3A_377 = arith.index_cast %scan3A_315 : i32 to index
        %get3A_378 = arith.constant 112 : index
        %get3A_379 = tpu.vector_load %arg7[%get3A_377, %get3A_378] {strides = array<i32>} : memref<200x128xf32, #tpu.memory_space<vmem>>, vector<1x16xf32>,
        %get3A_380 = vector.shape_cast %get3A_379 : vector<1x16xf32> to vector<16xf32>
        %swap3A_381 = arith.index_cast %scan3A_315 : i32 to index
        %swap3A_382 = arith.constant 112 : index
        %swap3A_383 = tpu.vector_load %arg9[%swap3A_381, %swap3A_382] {strides = array<i32>} : memref<200x128xf32, #tpu.memory_space<vmem>>, vector<1x16xf32>,
        %swap3A_384 = vector.shape_cast %swap3A_383 : vector<1x16xf32> to vector<16xf32>
        %swap3A_385 = vector.shape_cast %get3A_380 : vector<16xf32> to vector<1x16xf32>
        tpu.vector_store %arg9[%swap3A_381, %swap3A_382], %swap3A_385 {add = true, strides = array<i32>} : memref<200x128xf32, #tpu.memory_space<vmem>>, vector<1x16xf32>,
      }
      %scan3A_278 = arith.constant 32 : i32
      %mul3A_279 = arith.constant 200 : i32
      %mul3A_280 = arith.muli %add3A_168, %mul3A_279 : i32
      %add3A_281 = arith.addi %mul3A_2, %mul3A_280 : i32
      %add3A_282 = arith.constant 136 : i32
      %add3A_283 = arith.addi %add3A_281, %add3A_282 : i32
      %dma_start3A_284 = arith.constant 136 : i32
      %dma_start3A_285 = arith.constant 0 : i32
      %dma_start3A_286 = tpu.memref_slice %arg9[%dma_start3A_284, %dma_start3A_285] : memref<200x128xf32, #tpu.memory_space<vmem>> -> memref<32x128xf32, #tpu.memory_space<vmem>>
      %dma_start3A_287 = arith.constant 0 : i32
      %dma_start3A_288 = tpu.memref_slice %arg5[%add3A_283, %dma_start3A_287] : memref<819200x128xf32, #tpu.memory_space<hbm>> -> memref<32x128xf32, #tpu.memory_space<hbm>>
      %dma_start3A_289 = arith.constant 0 : i32
      %dma_start3A_290 = tpu.memref_slice %arg5[%add3A_283, %dma_start3A_289] : memref<819200x128xf32, #tpu.memory_space<hbm>> -> memref<32x128xf32, #tpu.memory_space<hbm>>
      %dma_start3A_291 = arith.constant 136 : i32
      %dma_start3A_292 = arith.constant 0 : i32
      %dma_start3A_293 = tpu.memref_slice %arg9[%dma_start3A_291, %dma_start3A_292] : memref<200x128xf32, #tpu.memory_space<vmem>> -> memref<32x128xf32, #tpu.memory_space<vmem>>
      tpu.enqueue_dma source(%dma_start3A_293 : memref<32x128xf32, #tpu.memory_space<vmem>>) target(%dma_start3A_290 : memref<32x128xf32, #tpu.memory_space<hbm>>) target_semaphore(%arg13 : memref<!tpu.dma_semaphore, #tpu.memory_space<semaphore_mem>>)
      %scan3A_294 = arith.constant 0 : i32
      %scan3A_295 = arith.constant 168 : i32
      %scan3A_296 = arith.constant 32 : i32
      %scan3A_297 = arith.addi %scan3A_295, %scan3A_296 : i32
      %scan3A_298 = arith.constant 1 : i32
      scf.for %scan3A_315 = %scan3A_295 to %scan3A_297 step %scan3A_298  : i32 {
        %get3A = arith.index_cast %scan3A_315 : i32 to index
        %get3A_316 = arith.constant 0 : index
        %get3A_317 = tpu.vector_load %arg7[%get3A, %get3A_316] {strides = array<i32>} : memref<200x128xf32, #tpu.memory_space<vmem>>, vector<1x16xf32>,
        %get3A_318 = vector.shape_cast %get3A_317 : vector<1x16xf32> to vector<16xf32>
        %swap3A = arith.index_cast %scan3A_315 : i32 to index
        %swap3A_319 = arith.constant 0 : index
        %swap3A_320 = tpu.vector_load %arg9[%swap3A, %swap3A_319] {strides = array<i32>} : memref<200x128xf32, #tpu.memory_space<vmem>>, vector<1x16xf32>,
        %swap3A_321 = vector.shape_cast %swap3A_320 : vector<1x16xf32> to vector<16xf32>
        %swap3A_322 = vector.shape_cast %get3A_318 : vector<16xf32> to vector<1x16xf32>
        tpu.vector_store %arg9[%swap3A, %swap3A_319], %swap3A_322 {add = true, strides = array<i32>} : memref<200x128xf32, #tpu.memory_space<vmem>>, vector<1x16xf32>,
        %get3A_323 = arith.index_cast %scan3A_315 : i32 to index
        %get3A_324 = arith.constant 16 : index
        %get3A_325 = tpu.vector_load %arg7[%get3A_323, %get3A_324] {strides = array<i32>} : memref<200x128xf32, #tpu.memory_space<vmem>>, vector<1x16xf32>,
        %get3A_326 = vector.shape_cast %get3A_325 : vector<1x16xf32> to vector<16xf32>
        %swap3A_327 = arith.index_cast %scan3A_315 : i32 to index
        %swap3A_328 = arith.constant 16 : index
        %swap3A_329 = tpu.vector_load %arg9[%swap3A_327, %swap3A_328] {strides = array<i32>} : memref<200x128xf32, #tpu.memory_space<vmem>>, vector<1x16xf32>,
        %swap3A_330 = vector.shape_cast %swap3A_329 : vector<1x16xf32> to vector<16xf32>
        %swap3A_331 = vector.shape_cast %get3A_326 : vector<16xf32> to vector<1x16xf32>
        tpu.vector_store %arg9[%swap3A_327, %swap3A_328], %swap3A_331 {add = true, strides = array<i32>} : memref<200x128xf32, #tpu.memory_space<vmem>>, vector<1x16xf32>,
        %get3A_332 = arith.index_cast %scan3A_315 : i32 to index
        %get3A_333 = arith.constant 32 : index
        %get3A_334 = tpu.vector_load %arg7[%get3A_332, %get3A_333] {strides = array<i32>} : memref<200x128xf32, #tpu.memory_space<vmem>>, vector<1x16xf32>,
        %get3A_335 = vector.shape_cast %get3A_334 : vector<1x16xf32> to vector<16xf32>
        %swap3A_336 = arith.index_cast %scan3A_315 : i32 to index
        %swap3A_337 = arith.constant 32 : index
        %swap3A_338 = tpu.vector_load %arg9[%swap3A_336, %swap3A_337] {strides = array<i32>} : memref<200x128xf32, #tpu.memory_space<vmem>>, vector<1x16xf32>,
        %swap3A_339 = vector.shape_cast %swap3A_338 : vector<1x16xf32> to vector<16xf32>
        %swap3A_340 = vector.shape_cast %get3A_335 : vector<16xf32> to vector<1x16xf32>
        tpu.vector_store %arg9[%swap3A_336, %swap3A_337], %swap3A_340 {add = true, strides = array<i32>} : memref<200x128xf32, #tpu.memory_space<vmem>>, vector<1x16xf32>,
        %get3A_341 = arith.index_cast %scan3A_315 : i32 to index
        %get3A_342 = arith.constant 48 : index
        %get3A_343 = tpu.vector_load %arg7[%get3A_341, %get3A_342] {strides = array<i32>} : memref<200x128xf32, #tpu.memory_space<vmem>>, vector<1x16xf32>,
        %get3A_344 = vector.shape_cast %get3A_343 : vector<1x16xf32> to vector<16xf32>
        %swap3A_345 = arith.index_cast %scan3A_315 : i32 to index
        %swap3A_346 = arith.constant 48 : index
        %swap3A_347 = tpu.vector_load %arg9[%swap3A_345, %swap3A_346] {strides = array<i32>} : memref<200x128xf32, #tpu.memory_space<vmem>>, vector<1x16xf32>,
        %swap3A_348 = vector.shape_cast %swap3A_347 : vector<1x16xf32> to vector<16xf32>
        %swap3A_349 = vector.shape_cast %get3A_344 : vector<16xf32> to vector<1x16xf32>
        tpu.vector_store %arg9[%swap3A_345, %swap3A_346], %swap3A_349 {add = true, strides = array<i32>} : memref<200x128xf32, #tpu.memory_space<vmem>>, vector<1x16xf32>,
        %get3A_350 = arith.index_cast %scan3A_315 : i32 to index
        %get3A_351 = arith.constant 64 : index
        %get3A_352 = tpu.vector_load %arg7[%get3A_350, %get3A_351] {strides = array<i32>} : memref<200x128xf32, #tpu.memory_space<vmem>>, vector<1x16xf32>,
        %get3A_353 = vector.shape_cast %get3A_352 : vector<1x16xf32> to vector<16xf32>
        %swap3A_354 = arith.index_cast %scan3A_315 : i32 to index
        %swap3A_355 = arith.constant 64 : index
        %swap3A_356 = tpu.vector_load %arg9[%swap3A_354, %swap3A_355] {strides = array<i32>} : memref<200x128xf32, #tpu.memory_space<vmem>>, vector<1x16xf32>,
        %swap3A_357 = vector.shape_cast %swap3A_356 : vector<1x16xf32> to vector<16xf32>
        %swap3A_358 = vector.shape_cast %get3A_353 : vector<16xf32> to vector<1x16xf32>
        tpu.vector_store %arg9[%swap3A_354, %swap3A_355], %swap3A_358 {add = true, strides = array<i32>} : memref<200x128xf32, #tpu.memory_space<vmem>>, vector<1x16xf32>,
        %get3A_359 = arith.index_cast %scan3A_315 : i32 to index
        %get3A_360 = arith.constant 80 : index
        %get3A_361 = tpu.vector_load %arg7[%get3A_359, %get3A_360] {strides = array<i32>} : memref<200x128xf32, #tpu.memory_space<vmem>>, vector<1x16xf32>,
        %get3A_362 = vector.shape_cast %get3A_361 : vector<1x16xf32> to vector<16xf32>
        %swap3A_363 = arith.index_cast %scan3A_315 : i32 to index
        %swap3A_364 = arith.constant 80 : index
        %swap3A_365 = tpu.vector_load %arg9[%swap3A_363, %swap3A_364] {strides = array<i32>} : memref<200x128xf32, #tpu.memory_space<vmem>>, vector<1x16xf32>,
        %swap3A_366 = vector.shape_cast %swap3A_365 : vector<1x16xf32> to vector<16xf32>
        %swap3A_367 = vector.shape_cast %get3A_362 : vector<16xf32> to vector<1x16xf32>
        tpu.vector_store %arg9[%swap3A_363, %swap3A_364], %swap3A_367 {add = true, strides = array<i32>} : memref<200x128xf32, #tpu.memory_space<vmem>>, vector<1x16xf32>,
        %get3A_368 = arith.index_cast %scan3A_315 : i32 to index
        %get3A_369 = arith.constant 96 : index
        %get3A_370 = tpu.vector_load %arg7[%get3A_368, %get3A_369] {strides = array<i32>} : memref<200x128xf32, #tpu.memory_space<vmem>>, vector<1x16xf32>,
        %get3A_371 = vector.shape_cast %get3A_370 : vector<1x16xf32> to vector<16xf32>
        %swap3A_372 = arith.index_cast %scan3A_315 : i32 to index
        %swap3A_373 = arith.constant 96 : index
        %swap3A_374 = tpu.vector_load %arg9[%swap3A_372, %swap3A_373] {strides = array<i32>} : memref<200x128xf32, #tpu.memory_space<vmem>>, vector<1x16xf32>,
        %swap3A_375 = vector.shape_cast %swap3A_374 : vector<1x16xf32> to vector<16xf32>
        %swap3A_376 = vector.shape_cast %get3A_371 : vector<16xf32> to vector<1x16xf32>
        tpu.vector_store %arg9[%swap3A_372, %swap3A_373], %swap3A_376 {add = true, strides = array<i32>} : memref<200x128xf32, #tpu.memory_space<vmem>>, vector<1x16xf32>,
        %get3A_377 = arith.index_cast %scan3A_315 : i32 to index
        %get3A_378 = arith.constant 112 : index
        %get3A_379 = tpu.vector_load %arg7[%get3A_377, %get3A_378] {strides = array<i32>} : memref<200x128xf32, #tpu.memory_space<vmem>>, vector<1x16xf32>,
        %get3A_380 = vector.shape_cast %get3A_379 : vector<1x16xf32> to vector<16xf32>
        %swap3A_381 = arith.index_cast %scan3A_315 : i32 to index
        %swap3A_382 = arith.constant 112 : index
        %swap3A_383 = tpu.vector_load %arg9[%swap3A_381, %swap3A_382] {strides = array<i32>} : memref<200x128xf32, #tpu.memory_space<vmem>>, vector<1x16xf32>,
        %swap3A_384 = vector.shape_cast %swap3A_383 : vector<1x16xf32> to vector<16xf32>
        %swap3A_385 = vector.shape_cast %get3A_380 : vector<16xf32> to vector<1x16xf32>
        tpu.vector_store %arg9[%swap3A_381, %swap3A_382], %swap3A_385 {add = true, strides = array<i32>} : memref<200x128xf32, #tpu.memory_space<vmem>>, vector<1x16xf32>,
      }
      %scan3A_299 = arith.constant 32 : i32
      %mul3A_300 = arith.constant 200 : i32
      %mul3A_301 = arith.muli %add3A_168, %mul3A_300 : i32
      %add3A_302 = arith.addi %mul3A_2, %mul3A_301 : i32
      %add3A_303 = arith.constant 168 : i32
      %add3A_304 = arith.addi %add3A_302, %add3A_303 : i32
      %dma_start3A_305 = arith.constant 168 : i32
      %dma_start3A_306 = arith.constant 0 : i32
      %dma_start3A_307 = tpu.memref_slice %arg9[%dma_start3A_305, %dma_start3A_306] : memref<200x128xf32, #tpu.memory_space<vmem>> -> memref<32x128xf32, #tpu.memory_space<vmem>>
      %dma_start3A_308 = arith.constant 0 : i32
      %dma_start3A_309 = tpu.memref_slice %arg5[%add3A_304, %dma_start3A_308] : memref<819200x128xf32, #tpu.memory_space<hbm>> -> memref<32x128xf32, #tpu.memory_space<hbm>>
      %dma_start3A_310 = arith.constant 0 : i32
      %dma_start3A_311 = tpu.memref_slice %arg5[%add3A_304, %dma_start3A_310] : memref<819200x128xf32, #tpu.memory_space<hbm>> -> memref<32x128xf32, #tpu.memory_space<hbm>>
      %dma_start3A_312 = arith.constant 168 : i32
      %dma_start3A_313 = arith.constant 0 : i32
      %dma_start3A_314 = tpu.memref_slice %arg9[%dma_start3A_312, %dma_start3A_313] : memref<200x128xf32, #tpu.memory_space<vmem>> -> memref<32x128xf32, #tpu.memory_space<vmem>>
      tpu.enqueue_dma source(%dma_start3A_314 : memref<32x128xf32, #tpu.memory_space<vmem>>) target(%dma_start3A_311 : memref<32x128xf32, #tpu.memory_space<hbm>>) target_semaphore(%arg13 : memref<!tpu.dma_semaphore, #tpu.memory_space<semaphore_mem>>)
    }
    %scan3A_14 = arith.constant 64 : i32
    %dma_wait3A_15 = arith.constant 0 : i32
    %dma_wait3A_16 = tpu.memref_slice %arg5[%mul3A_2, %dma_wait3A_15] : memref<819200x128xf32, #tpu.memory_space<hbm>> -> memref<200x128xf32, #tpu.memory_space<hbm>>
    %dma_wait3A_17 = arith.constant 0 : i32
    %dma_wait3A_18 = tpu.memref_slice %arg5[%mul3A_2, %dma_wait3A_17] : memref<819200x128xf32, #tpu.memory_space<hbm>> -> memref<200x128xf32, #tpu.memory_space<hbm>>
    tpu.wait_dma2 semaphore(%arg13 : memref<!tpu.dma_semaphore, #tpu.memory_space<semaphore_mem>>) src(%arg9 : memref<200x128xf32, #tpu.memory_space<vmem>>) dst(%dma_wait3A_18 : memref<200x128xf32, #tpu.memory_space<hbm>>)
    return
  }
}

</mosaic_0001>

<sc_bundles>
// kernel: kernel.3.cloned.1.call-start
scs
__scs_entry_jumppad:
0x0: {  	(pc) =	sbr.rel $0x88, $3  }
0x1: {  	(tag) =	ssettag $0x0;
	lr =	simm.s32 $0x1  }
0x2: {  	[smem:$0x3F9E] =	sst lr;
	_ =	strace $0xD0000000  }
0x3: {  	_ = 	snop  }
0x4: {  	_ = 	snop  }
0x5: {  	_ = 	snop  }
0x6: {  	_ = 	snop  }
0x7: {  	_ = 	snop  }
__scs_overlays_trampoline_lowered:
0x8: {  	[smem:$0x3FAD] =	sst s0  }
0x9: {  	[smem:$0x3FAE] =	sst s1  }
0xa: {  	[smem:$0x3FAF] =	sst s2  }
0xb: {  	[smem:$0x3FB0] =	sst s3  }
0xc: {  	[smem:$0x3FB1] =	sst s4  }
0xd: {  	[smem:$0x3FB2] =	sst s5  }
0xe: {  	[smem:$0x3FB3] =	sst s6  }
0xf: {  	[smem:$0x3FB4] =	sst s7  }
0x10: {  	[smem:$0x3FB5] =	sst s8  }
0x11: {  	[smem:$0x3FB6] =	sst s9;
	s0 =	simm.s32 @!p0 $0x0  }
0x12: {  	s1 =	sld [smem:$0x3F9C];
	s0 =	simm.s32 @p0 $0x1  }
0x13: {  	[smem:$0x3FB7] =	sst s0;
	s0 =	simm.s32 @!p1 $0x0  }
0x14: {  	s2 =	sld [smem:$0x3F9B];
	s0 =	simm.s32 @p1 $0x1  }
0x15: {  	[smem:$0x3FB8] =	sst s0;
	s0 =	simm.s32 @!p2 $0x0  }
0x16: {  	s3 =	sld [smem:$0x3FDB];
	s0 =	simm.s32 @p2 $0x1  }
0x17: {  	s4 =	simm.s32 $0x1BF5;
	[smem:$0x3FBA] =	sst s0  }
0x18: {  	s0 =	sld [smem:$0x3F9D];
	_ =	swait.ge [sflag:s4], $0x0  }
0x19: {  	s7 =	sld [smem:$0x3F9E]  }
0x1a: {  	s8 =	sadd.s32 $0xFFFFE003, lr  }
0x1b: {  	s9 =	sadd.s32 $0xFFFFFEF7, lr;
	s5 =	simm.s32 $0xFFFFFFFF;
	p2 =	slt.u32 s8, $0xFFFFF086  }
0x1c: {  	p1 =	slt.u32 s9, $0xF7A;
	s5 =	simm.s32 @!p2 $0x0  }
0x1d: {  	s5 =	simm.s32 @p1 $0x1;
	p0 =	seq.s32 s7, s2  }
0x1e: {  	s7 =	smul.u32 @!p0 $0xF7A, s2;
	p2 =	seq.s32 @!p0 s5, $0x0  }
0x1f: {  	s9 =	smul.u32 $0xF7A, s1;
	s8 =	simm.s32 @!p0 $0x1BF5;
	p2 =	por !p2, p0  }
0x20: {  	[sflag:s8] =	ssyncset.s32 @!p0 $0xFFFFF086;
	s6 =	sadd.s32 @!p0 s3, s7;
	s7 =	simm.s32 @!p0 $0x108  }
0x21: {  	s3 =	sadd.s32 s3, s9;
	s6 =	sadd.s32 @!p0 $0x88, s6;
	s7 =	simm.s32 @p2 $0x1082  }
0x22: {  	[simem:s7], [sflag:s8] =	dma.local @!p0 [hbm:s6], $0xF7A  }
0x23: {  	s9 =	sor.u32 $0xD0000000, s2;
	s6 =	simm.s32 $0x108;
	_ =	swait.ge @!p0 [sflag:s8], $0x0  }
0x24: {  	s3 =	sadd.s32 $0x88, s3;
	s6 =	simm.s32 @!p1 $0x1082;
	[sflag:s4] =	ssyncset.s32 $0xFFFFF086  }
0x25: {  	[simem:s6], [sflag:s4] =	dma.local [hbm:s3], $0xF7A  }
0x26: {  	[smem:$0x3F9E] =	sst s1;
	(tag) =	ssettag s2;
	_ =	strace s9  }
0x27: {  	s1 =	sld [smem:$0x3FAE]  }
0x28: {  	s2 =	sld [smem:$0x3FAF]  }
0x29: {  	s4 =	sld [smem:$0x3FB1]  }
0x2a: {  	p0 =	seq.s32 s5, $0x0;
	s5 =	sld [smem:$0x3FB2]  }
0x2b: {  	s6 =	sld [smem:$0x3FB3]  }
0x2c: {  	s7 =	sld [smem:$0x3FB4]  }
0x2d: {  	s3 =	simm.s32 $0x108;
	s8 =	sld [smem:$0x3FB5]  }
0x2e: {  	s3 =	simm.s32 @!p0 $0x1082;
	s9 =	sld [smem:$0x3FB6]  }
0x2f: {  	lr =	sadd.s32 s0, s3;
	s0 =	sld [smem:$0x3FAD]  }
0x30: {  	s3 =	sld [smem:$0x3FB0]  }
0x31: {  	[smem:$0x3FB9] =	sst s10  }
0x32: {  	s10 =	sld [smem:$0x3FB7];
	_ =	sdelay $0x3  }
0x33: {  	p0 =	seq.s32 s10, $0x1;
	s10 =	sld [smem:$0x3FB9];
	_ =	sdelay $0x3  }
0x34: {  	[smem:$0x3FB9] =	sst s10  }
0x35: {  	s10 =	sld [smem:$0x3FB8];
	_ =	sdelay $0x3  }
0x36: {  	p1 =	seq.s32 s10, $0x1;
	s10 =	sld [smem:$0x3FB9];
	_ =	sdelay $0x3  }
0x37: {  	[smem:$0x3FB9] =	sst s10  }
0x38: {  	s10 =	sld [smem:$0x3FBA]  }
0x39: {  	_ = 	snop;
	(pc) =	sbr.ind lr, $3  }
0x3a: {  	_ = 	snop  }
0x3b: {  	_ = 	snop  }
0x3c: {  	p2 =	seq.s32 s10, $0x1;
	s10 =	sld [smem:$0x3FB9]  }
0x3d: {  	_ =	shalt  }
0x3e: {  	_ =	shalt  }
0x3f: {  	_ =	shalt  }
0x40: {  	_ =	shalt  }
0x41: {  	_ =	shalt  }
0x42: {  	_ =	shalt  }
0x43: {  	_ =	shalt  }
0x44: {  	_ =	shalt  }
0x45: {  	_ =	shalt  }
0x46: {  	_ =	shalt  }
0x47: {  	_ =	shalt  }
0x48: {  	_ =	shalt  }
0x49: {  	_ =	shalt  }
0x4a: {  	_ =	shalt  }
0x4b: {  	_ =	shalt  }
0x4c: {  	_ =	shalt  }
0x4d: {  	_ =	shalt  }
0x4e: {  	_ =	shalt  }
0x4f: {  	_ =	shalt  }
0x50: {  	_ =	shalt  }
0x51: {  	_ =	shalt  }
0x52: {  	_ =	shalt  }
0x53: {  	_ =	shalt  }
0x54: {  	_ =	shalt  }
0x55: {  	_ =	shalt  }
0x56: {  	_ =	shalt  }
0x57: {  	_ =	shalt  }
0x58: {  	_ =	shalt  }
0x59: {  	_ =	shalt  }
0x5a: {  	_ =	shalt  }
0x5b: {  	_ =	shalt  }
0x5c: {  	_ =	shalt  }
0x5d: {  	_ =	shalt  }
0x5e: {  	_ =	shalt  }
0x5f: {  	_ =	shalt  }
0x60: {  	_ =	shalt  }
0x61: {  	_ =	shalt  }
0x62: {  	_ =	shalt  }
0x63: {  	_ =	shalt  }
0x64: {  	_ =	shalt  }
0x65: {  	_ =	shalt  }
0x66: {  	_ =	shalt  }
0x67: {  	_ =	shalt  }
0x68: {  	_ =	shalt  }
0x69: {  	_ =	shalt  }
0x6a: {  	_ =	shalt  }
0x6b: {  	_ =	shalt  }
0x6c: {  	_ =	shalt  }
0x6d: {  	_ =	shalt  }
0x6e: {  	_ =	shalt  }
0x6f: {  	_ =	shalt  }
0x70: {  	_ =	shalt  }
0x71: {  	_ =	shalt  }
0x72: {  	_ =	shalt  }
0x73: {  	_ =	shalt  }
0x74: {  	_ =	shalt  }
0x75: {  	_ =	shalt  }
0x76: {  	_ =	shalt  }
0x77: {  	_ =	shalt  }
0x78: {  	_ =	shalt  }
0x79: {  	_ =	shalt  }
0x7a: {  	_ =	shalt  }
0x7b: {  	_ =	shalt  }
0x7c: {  	_ =	shalt  }
0x7d: {  	_ =	shalt  }
0x7e: {  	_ =	shalt  }
0x7f: {  	_ =	shalt  }
0x80: {  	_ =	shalt  }
0x81: {  	_ =	shalt  }
0x82: {  	_ =	shalt  }
0x83: {  	_ =	shalt  }
0x84: {  	_ =	shalt  }
0x85: {  	_ =	shalt  }
0x86: {  	_ =	shalt  }
0x87: {  	_ =	shalt  }
.Lfunc_end0:
.L_simem_size_0:
called_computation_lowered:
.L_overlay_start_0:
0x88: {  	s2 =	sld [smem:$0x3FD9]  }
0x89: {  	s3 =	sld [smem:$0x3FFE];
	_ =	sdelay $0x1  }
0x8a: {  	s1 =	srdreg.scid  }
0x8b: {  	s0 =	sand.u32 $0x1, s1  }
0x8c: {  	s17 =	sshll.u32 s0, $0xA;
	s2 =	sadd.s32 s3, s2  }
0x8d: {  	s2 =	sadd.s32 s2, s17  }
0x8e: {  	[smem:$0x3FC5] =	sst s2  }
0x8f: {  	_ = 	snop  }
0x90: {  	s2 =	sld [smem:$0x3FC8]  }
0x91: {  	s18 =	sld [smem:$0x3FC7]  }
0x92: {  	s4 =	sld [smem:$0x3FD0];
	(tm) =	ssettm $0x1  }
0x93: {  	s5 =	sld [smem:$0x3FFB];
	_ =	sdelay $0x3  }
0x94: {  	_ =	strace s5  }
0x95: {  	s5 =	sld [smem:$0x3FFC];
	_ =	sdelay $0x3  }
0x96: {  	_ =	strace s5  }
0x97: {  	s5 =	sld [smem:$0x3FFD];
	_ =	sdelay $0x3  }
0x98: {  	_ =	strace s5  }
0x99: {  	_ =	strace $0x8FFFFFFF  }
0x9a: {  	s19 =	sld [smem:$0x3FDB];
	_ =	sdelay $0x1  }
0x9b: {  	s6 =	simm.s32 $_scs_section_size  }
0x9c: {  	s7 =	simm.s32 $_size__tile_overlayer_lowered;
	s8 =	simm.s32 $_tile_overlayer_lowered  }
0x9d: {  	s22 =	simm.s32 $0x1BFF;
	s21 =	sshll.u32 s8, $0x1;
	s5 =	sadd.s32 s6, s19  }
0x9e: {  	s9 =	simm.s32 $0x0;
	s20 =	sshll.u32 s7, $0x1;
	s7 =	sadd.s32 s21, s5  }
0x9f: {  	[timem:s9], [sflag:s22] =	dma.local [hbm:s7], s20  }
0xa0: {  	_ =	swait.ge [sflag:s22], s20  }
0xa1: {  	s6 =	ssub.s32 $0x0, s20;
	[sflag:s22] =	ssyncset.done $0x0  }
0xa2: {  	[sflag:s22] =	ssyncadd.s32 s6;
	_ =	sdelay $0x1  }
0xa3: {  	s23 =	simm.s32 $0x1B8B  }
0xa4: {  	_ =	swait.ge [sflag:s23], $0x1  }
0xa5: {  	[sflag:s23] =	ssyncset.done $0x0  }
0xa6: {  	s25 =	simm.s32 $0x1B8E;
	s24 =	sld [smem:$0x3FFE];
	[sflag:s23] =	ssyncadd.s32 $0xFFFFFFFF  }
0xa7: {  	s26 =	simm.s32 $execute0_lowered;
	[smem:$0x3FD2] =	sst s25  }
0xa8: {  	s7 =	sshll.u32 s26, $0x1;
	_ =	strace $0x80000046;
	[dreg:$0x1] =	wrdreg $0xFFFFFFFF  }
0xa9: {  	s28 =	simm.s32 $_size_execute0_lowered;
	s5 =	sadd.s32 s5, s7;
	[dreg:$0x0] =	wrdreg $0x0  }
0xaa: {  	s7 =	sshll.u32 s28, $0x1;
	[dreg:$0x2] =	wrdreg s5  }
0xab: {  	[dreg:$0x3] =	wrdreg s7  }
0xac: {  	[dreg:$0x4] =	wrdreg $0xC0  }
0xad: {  	_ =	task [dreg:s9], $0x5FFFF  }
0xae: {  	[dreg:$0x1] =	wrdreg $0xFFFFFFFF  }
0xaf: {  	[dreg:$0x0] =	wrdreg $0x60  }
0xb0: {  	[dreg:$0x2] =	wrdreg s24  }
0xb1: {  	[dreg:$0x3] =	wrdreg s2  }
0xb2: {  	[dreg:$0x4] =	wrdreg s18  }
0xb3: {  	[dreg:$0x5] =	wrdreg s4  }
0xb4: {  	[dreg:$0x6] =	wrdreg $0x9  }
0xb5: {  	_ =	task.clear_ibuf [dreg:s9], $0x7FFFF;
	_ =	strace $0x90000046  }
0xb6: {  	s29 =	simm.s32 $0x9;
	_ =	strace $0x80000048  }
0xb7: {  	_ =	swait.ge [sflag:s29], $0x1  }
0xb8: {  	[sflag:s29] =	ssyncadd.s32 $0xFFFFFFFF  }
0xb9: {  	_ =	strace $0x90000048  }
0xba: {  	_ =	sfence  }
0xbb: {  	s30 =	sld [smem:$0x0];
	_ =	sdelay $0x2  }
0xbc: {  	s31 =	sshll.u32 s1, $0xD;
	s1 =	sshrl.u32 s1, $0x2  }
0xbd: {  	s3 =	sand.u32 $0x4000, s31;
	s1 =	sadd.s32 s1, s30  }
0xbe: {  	s0 =	sor.u32 s3, s0;
	s1 =	sshll.u32 s1, $0x11  }
0xbf: {  	s0 =	sor.u32 s1, s0  }
0xc0: {  	s0 =	sadd.s32 $0x8F2B, s0  }
0xc1: {  	[sflag:s0] =	ssyncadd.remote.s32 $0x1  }
0xc2: {  	_ =	sfence.sel $0xFFFF  }
0xc3: {  	[dreg:$0x0] =	wrdreg $0xFFFFFFFF;
	(pc) =	sbr.abs _section_cstart, $3  }
0xc4: {  	[dreg:$0x1] =	wrdreg $0xFFFFFFFF  }
0xc5: {  	_ =	task.clear_ibuf [dreg:s9], $0x2FFFF;
	_ =	strace $0x9FFFFFFF  }
0xc6: {  	(tm) =	ssettm $0x7FFFFFFF  }
0xc7: {  	_ =	shalt  }
tec
execute0_lowered:
.L_overlay_start_1:
0x0: {  	(tag) =	ssettag $0x1  }
0x1: {  	s0 =	rddreg [dreg:$0x0];
	s2 =	srdreg.scid  }
0x2: {  	s3 =	stileid.u32;
	s1 =	rddreg [dreg:$0x1]  }
0x3: {  	s4 =	rddreg [dreg:$0x3];
	s6 =	simm.s32 $0x0;
	s16 =	simm.s32 $0xC8  }
0x4: {  	s17 =	simm.s32 $0xC800;
	s19 =	simm.s32 $0x12C00;
	s20 =	simm.s32 $0x1  }
0x5: {  	s21 =	simm.s32 $0xDC00;
	s22 =	simm.s32 $0xEC00;
	s23 =	simm.s32 $0xFC00  }
0x6: {  	s24 =	simm.s32 $0x10C00;
	s28 =	simm.s32 $0x2;
	s29 =	simm.s32 $0x14000  }
0x7: {  	s30 =	simm.s32 $0x15000;
	s31 =	simm.s32 $0x16000;
	s14 =	simm.s32 $0x0  }
0x8: {  	s2 =	sand.u32 $0x1, s2;
	s3 =	sshll.u32 s3, $0x1;
	[smem:$0x7FF] =	sst s6  }
0x9: {  	s8 =	sadd.s32 $0x280, s4;
	s9 =	sadd.s32 $0x480, s4;
	s3 =	sor.u32 s2, s3  }
0xa: {  	s10 =	sadd.s32 $0x680, s4;
	s2 =	ssub.s32 $0x2, s2;
	s5 =	smul.u32 $0x6400, s3  }
0xb: {  	s11 =	sadd.s32 $0x880, s4;
	s12 =	sadd.s32 $0xA80, s4;
	s25 =	sshrl.u32 s2, $0x1  }
0xc: {  	_ =	strace $0x80000047;
	s2 =	ssub.s32 s2, s25;
	s3 =	sshrl.u32 s5, $0x3  }
0xd: {  	s25 =	simm.s32 $0x11C00;
	s26 =	smax.u32 s2, $0x1;
	s0 =	sadd.s32 s3, s0  }
0xe: {  	s2 =	simm.s32 $0x17000;
	[dreg:$0x6] =	wrdreg s26;
	s0 =	sadd.s32 $0x400, s0  }
0xf: {  	s26 =	simm.s32 $0x3;
	[dreg:$0x5] =	wrdreg s0;
	s0 =	simm.s32 $0x18000  }
.LBB2_1:
0x10: {  	s3 =	rddreg [dreg:$0x5]  }
0x11: {  	[tilespmem:s6], [sflag:$0x5] =	stream.linear.gather [hbm4b:s3+s6], $0x6400, $0x38;
	[tilespmem:$0x19000] =	vst v63  }
0x12: {  	s13 =	rddreg [dreg:$0x2];
	s7 =	simm.s32 $0x6400;
	s15 =	simm.s32 $0x5  }
0x13: {  	[tilespmem:s7], [sflag:$0x6] =	stream.linear.gather [hbm4b:s13+s6], $0x6400, $0x38;
	[tilespmem:$0x19000] =	vst v63  }
0x14: {  	_ =	swait.ge [sflag:s15], $0x6400  }
0x15: {  	[sflag:s15] =	ssyncset.done $0x0  }
0x16: {  	s18 =	simm.s32 $0x6;
	[sflag:s15] =	ssyncadd.s32 $0xFFFF9C00  }
0x17: {  	[tilespmem:s17], [sflag:$0x1] =	stream.indirect.gather [hbm4b:s1+s16], $0x80, s6, s16, $0xb8;
	[tilespmem:$0x19000] =	vst v63  }
0x18: {  	_ =	swait.ge [sflag:s18], $0x6400  }
0x19: {  	[sflag:s18] =	ssyncset.done $0x0  }
0x1a: {  	s7 =	simm.s32 $0x0;
	[sflag:s18] =	ssyncadd.s32 $0xFFFF9C00  }
.LBB2_2:
0x1b: {  	s3 =	sshll.u32 s7, $0x1;
	p0 =	seq.s32 s7, $0x0  }
0x1c: {  	s15 =	simm.s32 @!p0 $0x4;
	s13 =	sor.u32 $0x1, s3  }
0x1d: {  	_ =	swait.ge @!p0 [sflag:s15], $0x6400;
	s3 =	smul.u32 $0x320, s13  }
0x1e: {  	[sflag:s15] =	ssyncset.done @!p0 $0x0  }
0x1f: {  	[sflag:s15] =	ssyncadd.s32 @!p0 $0xFFFF9C00;
	s3 =	sshra.s32 s3, $0x2  }
0x20: {  	[tilespmem:s19], [sflag:$0x2] =	stream.indirect.gather [hbm4b:s1+s16], $0x80, s3, s16, $0xb8;
	[tilespmem:$0x19000] =	vst v63  }
0x21: {  	_ =	swait.ge [sflag:s20], $0x6400  }
0x22: {  	[sflag:s20] =	ssyncset.done $0x0  }
0x23: {  	s18 =	simm.s32 $0x0;
	s15 =	simm.s32 $0x200;
	[sflag:s20] =	ssyncadd.s32 $0xFFFF9C00  }
.LBB2_3:
0x24: {  	p0 =	sne.s32 s15, $0x4E00;
	v0 =	vld [tilespmem:s18+$0x6470]  }
0x25: {  	v1 =	vld [tilespmem:s18+$0x6400]  }
0x26: {  	v2 =	vld [tilespmem:s18+$0x6410]  }
0x27: {  	v3 =	vld [tilespmem:s18+$0x6420]  }
0x28: {  	v4 =	vld [tilespmem:s18+$0x6430]  }
0x29: {  	[tilespmem:s18+$0xC870] =	vst.add.f32.msk $0xffff, v0  }
0x2a: {  	v0 =	vld [tilespmem:s18+$0x6440]  }
0x2b: {  	v5 =	vld [tilespmem:s18+$0x6450]  }
0x2c: {  	v6 =	vld [tilespmem:s18+$0x6460]  }
0x2d: {  	[tilespmem:s18+$0xC800] =	vst.add.f32.msk $0xffff, v1  }
0x2e: {  	[tilespmem:s18+$0xC810] =	vst.add.f32.msk $0xffff, v2  }
.Ltmp0:
0x2f: {  	[tilespmem:s18+$0xC820] =	vst.add.f32.msk $0xffff, v3;
	(pc) =	sbr.rel @p0 .LBB2_3-.Ltmp0, $4  }
0x30: {  	[tilespmem:s18+$0xC830] =	vst.add.f32.msk $0xffff, v4  }
0x31: {  	[tilespmem:s18+$0xC840] =	vst.add.f32.msk $0xffff, v0  }
0x32: {  	[tilespmem:s18+$0xC850] =	vst.add.f32.msk $0xffff, v5  }
0x33: {  	[tilespmem:s18+$0xC860] =	vst.add.f32.msk $0xffff, v6;
	s18 =	sshra.s32 s15, $0x2;
	s15 =	sadd.s32 $0x200, s15  }
0x34: {  	v0 =	vld [tilespmem:s18+$0x6470]  }
0x35: {  	v1 =	vld [tilespmem:s18+$0x6400]  }
0x36: {  	v2 =	vld [tilespmem:s18+$0x6410]  }
0x37: {  	v3 =	vld [tilespmem:s18+$0x6420]  }
0x38: {  	v4 =	vld [tilespmem:s18+$0x6430]  }
0x39: {  	v63 =	vld [tilespmem:s18+$0x6440]  }
0x3a: {  	v5 =	vld [tilespmem:s18+$0x6450]  }
0x3b: {  	v6 =	vld [tilespmem:s18+$0x6460]  }
0x3c: {  	[tilespmem:s18+$0xC870] =	vst.add.f32.msk $0xffff, v0  }
0x3d: {  	[tilespmem:s18+$0xC800] =	vst.add.f32.msk $0xffff, v1  }
0x3e: {  	[tilespmem:s18+$0xC810] =	vst.add.f32.msk $0xffff, v2  }
0x3f: {  	s3 =	smul.u32 $0x190, s7;
	[tilespmem:s18+$0xC820] =	vst.add.f32.msk $0xffff, v3  }
0x40: {  	[tilespmem:s18+$0xC830] =	vst.add.f32.msk $0xffff, v4  }
0x41: {  	s3 =	sadd.s32 s5, s3;
	[tilespmem:s18+$0xC840] =	vst.add.f32.msk $0xffff, v63  }
0x42: {  	s15 =	sshll.u32 s3, $0x4;
	[tilespmem:s18+$0xC850] =	vst.add.f32.msk $0xffff, v5  }
0x43: {  	s3 =	sadd.s32 s4, s15;
	[tilespmem:s18+$0xC860] =	vst.add.f32.msk $0xffff, v6;
	s18 =	simm.s32 $0x0  }
0x44: {  	[hbm4b:s3+s18] =	stream.linear.scatter [tilespmem:s17], [sflag:$0x3], $0x1400, $0x38;
	[tilespmem:$0x19000] =	vst v63  }
0x45: {  	s18 =	simm.s32 $0x0;
	s3 =	simm.s32 $0x200  }
.LBB2_5:
0x46: {  	p0 =	sne.s32 s3, $0x3E00;
	v0 =	vld [tilespmem:s18+$0x7870]  }
0x47: {  	v1 =	vld [tilespmem:s18+$0x7800]  }
0x48: {  	v2 =	vld [tilespmem:s18+$0x7810]  }
0x49: {  	v3 =	vld [tilespmem:s18+$0x7820]  }
0x4a: {  	v4 =	vld [tilespmem:s18+$0x7830]  }
0x4b: {  	[tilespmem:s18+$0xDC70] =	vst.add.f32.msk $0xffff, v0  }
0x4c: {  	v0 =	vld [tilespmem:s18+$0x7840]  }
0x4d: {  	v5 =	vld [tilespmem:s18+$0x7850]  }
0x4e: {  	v6 =	vld [tilespmem:s18+$0x7860]  }
0x4f: {  	[tilespmem:s18+$0xDC00] =	vst.add.f32.msk $0xffff, v1  }
0x50: {  	[tilespmem:s18+$0xDC10] =	vst.add.f32.msk $0xffff, v2  }
.Ltmp1:
0x51: {  	[tilespmem:s18+$0xDC20] =	vst.add.f32.msk $0xffff, v3;
	(pc) =	sbr.rel @p0 .LBB2_5-.Ltmp1, $4  }
0x52: {  	[tilespmem:s18+$0xDC30] =	vst.add.f32.msk $0xffff, v4  }
0x53: {  	[tilespmem:s18+$0xDC40] =	vst.add.f32.msk $0xffff, v0  }
0x54: {  	[tilespmem:s18+$0xDC50] =	vst.add.f32.msk $0xffff, v5  }
0x55: {  	[tilespmem:s18+$0xDC60] =	vst.add.f32.msk $0xffff, v6;
	s18 =	sshra.s32 s3, $0x2;
	s3 =	sadd.s32 $0x200, s3  }
0x56: {  	v0 =	vld [tilespmem:s18+$0x7870]  }
0x57: {  	v1 =	vld [tilespmem:s18+$0x7800]  }
0x58: {  	v2 =	vld [tilespmem:s18+$0x7810]  }
0x59: {  	v3 =	vld [tilespmem:s18+$0x7820]  }
0x5a: {  	v4 =	vld [tilespmem:s18+$0x7830]  }
0x5b: {  	v63 =	vld [tilespmem:s18+$0x7840]  }
0x5c: {  	v5 =	vld [tilespmem:s18+$0x7850]  }
0x5d: {  	v6 =	vld [tilespmem:s18+$0x7860]  }
0x5e: {  	[tilespmem:s18+$0xDC70] =	vst.add.f32.msk $0xffff, v0  }
0x5f: {  	[tilespmem:s18+$0xDC00] =	vst.add.f32.msk $0xffff, v1  }
0x60: {  	[tilespmem:s18+$0xDC10] =	vst.add.f32.msk $0xffff, v2  }
0x61: {  	[tilespmem:s18+$0xDC20] =	vst.add.f32.msk $0xffff, v3  }
0x62: {  	[tilespmem:s18+$0xDC30] =	vst.add.f32.msk $0xffff, v4  }
0x63: {  	[tilespmem:s18+$0xDC40] =	vst.add.f32.msk $0xffff, v63  }
0x64: {  	[tilespmem:s18+$0xDC50] =	vst.add.f32.msk $0xffff, v5  }
0x65: {  	s3 =	sadd.s32 s15, s8;
	[tilespmem:s18+$0xDC60] =	vst.add.f32.msk $0xffff, v6;
	s18 =	simm.s32 $0x0  }
0x66: {  	[hbm4b:s3+s18] =	stream.linear.scatter [tilespmem:s21], [sflag:$0x3], $0x1000, $0x38;
	[tilespmem:$0x19000] =	vst v63  }
0x67: {  	s18 =	simm.s32 $0x0;
	s3 =	simm.s32 $0x200  }
.LBB2_7:
0x68: {  	p0 =	sne.s32 s3, $0x3E00;
	v0 =	vld [tilespmem:s18+$0x8870]  }
0x69: {  	v1 =	vld [tilespmem:s18+$0x8800]  }
0x6a: {  	v2 =	vld [tilespmem:s18+$0x8810]  }
0x6b: {  	v3 =	vld [tilespmem:s18+$0x8820]  }
0x6c: {  	v4 =	vld [tilespmem:s18+$0x8830]  }
0x6d: {  	[tilespmem:s18+$0xEC70] =	vst.add.f32.msk $0xffff, v0  }
0x6e: {  	v0 =	vld [tilespmem:s18+$0x8840]  }
0x6f: {  	v5 =	vld [tilespmem:s18+$0x8850]  }
0x70: {  	v6 =	vld [tilespmem:s18+$0x8860]  }
0x71: {  	[tilespmem:s18+$0xEC00] =	vst.add.f32.msk $0xffff, v1  }
0x72: {  	[tilespmem:s18+$0xEC10] =	vst.add.f32.msk $0xffff, v2  }
.Ltmp2:
0x73: {  	[tilespmem:s18+$0xEC20] =	vst.add.f32.msk $0xffff, v3;
	(pc) =	sbr.rel @p0 .LBB2_7-.Ltmp2, $4  }
0x74: {  	[tilespmem:s18+$0xEC30] =	vst.add.f32.msk $0xffff, v4  }
0x75: {  	[tilespmem:s18+$0xEC40] =	vst.add.f32.msk $0xffff, v0  }
0x76: {  	[tilespmem:s18+$0xEC50] =	vst.add.f32.msk $0xffff, v5  }
0x77: {  	[tilespmem:s18+$0xEC60] =	vst.add.f32.msk $0xffff, v6;
	s18 =	sshra.s32 s3, $0x2;
	s3 =	sadd.s32 $0x200, s3  }
0x78: {  	v0 =	vld [tilespmem:s18+$0x8870]  }
0x79: {  	v1 =	vld [tilespmem:s18+$0x8800]  }
0x7a: {  	v2 =	vld [tilespmem:s18+$0x8810]  }
0x7b: {  	v3 =	vld [tilespmem:s18+$0x8820]  }
0x7c: {  	v4 =	vld [tilespmem:s18+$0x8830]  }
0x7d: {  	v63 =	vld [tilespmem:s18+$0x8840]  }
0x7e: {  	v5 =	vld [tilespmem:s18+$0x8850]  }
0x7f: {  	v6 =	vld [tilespmem:s18+$0x8860]  }
0x80: {  	[tilespmem:s18+$0xEC70] =	vst.add.f32.msk $0xffff, v0  }
0x81: {  	[tilespmem:s18+$0xEC00] =	vst.add.f32.msk $0xffff, v1  }
0x82: {  	[tilespmem:s18+$0xEC10] =	vst.add.f32.msk $0xffff, v2  }
0x83: {  	[tilespmem:s18+$0xEC20] =	vst.add.f32.msk $0xffff, v3  }
0x84: {  	[tilespmem:s18+$0xEC30] =	vst.add.f32.msk $0xffff, v4  }
0x85: {  	[tilespmem:s18+$0xEC40] =	vst.add.f32.msk $0xffff, v63  }
0x86: {  	[tilespmem:s18+$0xEC50] =	vst.add.f32.msk $0xffff, v5  }
0x87: {  	s3 =	sadd.s32 s15, s9;
	[tilespmem:s18+$0xEC60] =	vst.add.f32.msk $0xffff, v6;
	s18 =	simm.s32 $0x0  }
0x88: {  	[hbm4b:s3+s18] =	stream.linear.scatter [tilespmem:s22], [sflag:$0x3], $0x1000, $0x38;
	[tilespmem:$0x19000] =	vst v63  }
0x89: {  	s18 =	simm.s32 $0x0;
	s3 =	simm.s32 $0x200  }
.LBB2_9:
0x8a: {  	p0 =	sne.s32 s3, $0x3E00;
	v0 =	vld [tilespmem:s18+$0x9870]  }
0x8b: {  	v1 =	vld [tilespmem:s18+$0x9800]  }
0x8c: {  	v2 =	vld [tilespmem:s18+$0x9810]  }
0x8d: {  	v3 =	vld [tilespmem:s18+$0x9820]  }
0x8e: {  	v4 =	vld [tilespmem:s18+$0x9830]  }
0x8f: {  	[tilespmem:s18+$0xFC70] =	vst.add.f32.msk $0xffff, v0  }
0x90: {  	v0 =	vld [tilespmem:s18+$0x9840]  }
0x91: {  	v5 =	vld [tilespmem:s18+$0x9850]  }
0x92: {  	v6 =	vld [tilespmem:s18+$0x9860]  }
0x93: {  	[tilespmem:s18+$0xFC00] =	vst.add.f32.msk $0xffff, v1  }
0x94: {  	[tilespmem:s18+$0xFC10] =	vst.add.f32.msk $0xffff, v2  }
.Ltmp3:
0x95: {  	[tilespmem:s18+$0xFC20] =	vst.add.f32.msk $0xffff, v3;
	(pc) =	sbr.rel @p0 .LBB2_9-.Ltmp3, $4  }
0x96: {  	[tilespmem:s18+$0xFC30] =	vst.add.f32.msk $0xffff, v4  }
0x97: {  	[tilespmem:s18+$0xFC40] =	vst.add.f32.msk $0xffff, v0  }
0x98: {  	[tilespmem:s18+$0xFC50] =	vst.add.f32.msk $0xffff, v5  }
0x99: {  	[tilespmem:s18+$0xFC60] =	vst.add.f32.msk $0xffff, v6;
	s18 =	sshra.s32 s3, $0x2;
	s3 =	sadd.s32 $0x200, s3  }
0x9a: {  	v0 =	vld [tilespmem:s18+$0x9870]  }
0x9b: {  	v1 =	vld [tilespmem:s18+$0x9800]  }
0x9c: {  	v2 =	vld [tilespmem:s18+$0x9810]  }
0x9d: {  	v3 =	vld [tilespmem:s18+$0x9820]  }
0x9e: {  	v4 =	vld [tilespmem:s18+$0x9830]  }
0x9f: {  	v63 =	vld [tilespmem:s18+$0x9840]  }
0xa0: {  	v5 =	vld [tilespmem:s18+$0x9850]  }
0xa1: {  	v6 =	vld [tilespmem:s18+$0x9860]  }
0xa2: {  	[tilespmem:s18+$0xFC70] =	vst.add.f32.msk $0xffff, v0  }
0xa3: {  	[tilespmem:s18+$0xFC00] =	vst.add.f32.msk $0xffff, v1  }
0xa4: {  	[tilespmem:s18+$0xFC10] =	vst.add.f32.msk $0xffff, v2  }
0xa5: {  	[tilespmem:s18+$0xFC20] =	vst.add.f32.msk $0xffff, v3  }
0xa6: {  	[tilespmem:s18+$0xFC30] =	vst.add.f32.msk $0xffff, v4  }
0xa7: {  	[tilespmem:s18+$0xFC40] =	vst.add.f32.msk $0xffff, v63  }
0xa8: {  	[tilespmem:s18+$0xFC50] =	vst.add.f32.msk $0xffff, v5  }
0xa9: {  	s3 =	sadd.s32 s15, s10;
	[tilespmem:s18+$0xFC60] =	vst.add.f32.msk $0xffff, v6;
	s18 =	simm.s32 $0x0  }
0xaa: {  	[hbm4b:s3+s18] =	stream.linear.scatter [tilespmem:s23], [sflag:$0x3], $0x1000, $0x38;
	[tilespmem:$0x19000] =	vst v63  }
0xab: {  	s18 =	simm.s32 $0x0;
	s3 =	simm.s32 $0x200  }
.LBB2_11:
0xac: {  	p0 =	sne.s32 s3, $0x3E00;
	v0 =	vld [tilespmem:s18+$0xA870]  }
0xad: {  	v1 =	vld [tilespmem:s18+$0xA800]  }
0xae: {  	v2 =	vld [tilespmem:s18+$0xA810]  }
0xaf: {  	v3 =	vld [tilespmem:s18+$0xA820]  }
0xb0: {  	v4 =	vld [tilespmem:s18+$0xA830]  }
0xb1: {  	[tilespmem:s18+$0x10C70] =	vst.add.f32.msk $0xffff, v0  }
0xb2: {  	v0 =	vld [tilespmem:s18+$0xA840]  }
0xb3: {  	v5 =	vld [tilespmem:s18+$0xA850]  }
0xb4: {  	v6 =	vld [tilespmem:s18+$0xA860]  }
0xb5: {  	[tilespmem:s18+$0x10C00] =	vst.add.f32.msk $0xffff, v1  }
0xb6: {  	[tilespmem:s18+$0x10C10] =	vst.add.f32.msk $0xffff, v2  }
.Ltmp4:
0xb7: {  	[tilespmem:s18+$0x10C20] =	vst.add.f32.msk $0xffff, v3;
	(pc) =	sbr.rel @p0 .LBB2_11-.Ltmp4, $4  }
0xb8: {  	[tilespmem:s18+$0x10C30] =	vst.add.f32.msk $0xffff, v4  }
0xb9: {  	[tilespmem:s18+$0x10C40] =	vst.add.f32.msk $0xffff, v0  }
0xba: {  	[tilespmem:s18+$0x10C50] =	vst.add.f32.msk $0xffff, v5  }
0xbb: {  	[tilespmem:s18+$0x10C60] =	vst.add.f32.msk $0xffff, v6;
	s18 =	sshra.s32 s3, $0x2;
	s3 =	sadd.s32 $0x200, s3  }
0xbc: {  	v0 =	vld [tilespmem:s18+$0xA870]  }
0xbd: {  	v1 =	vld [tilespmem:s18+$0xA800]  }
0xbe: {  	v2 =	vld [tilespmem:s18+$0xA810]  }
0xbf: {  	v3 =	vld [tilespmem:s18+$0xA820]  }
0xc0: {  	v4 =	vld [tilespmem:s18+$0xA830]  }
0xc1: {  	v63 =	vld [tilespmem:s18+$0xA840]  }
0xc2: {  	v5 =	vld [tilespmem:s18+$0xA850]  }
0xc3: {  	v6 =	vld [tilespmem:s18+$0xA860]  }
0xc4: {  	[tilespmem:s18+$0x10C70] =	vst.add.f32.msk $0xffff, v0  }
0xc5: {  	[tilespmem:s18+$0x10C00] =	vst.add.f32.msk $0xffff, v1  }
0xc6: {  	[tilespmem:s18+$0x10C10] =	vst.add.f32.msk $0xffff, v2  }
0xc7: {  	[tilespmem:s18+$0x10C20] =	vst.add.f32.msk $0xffff, v3  }
0xc8: {  	[tilespmem:s18+$0x10C30] =	vst.add.f32.msk $0xffff, v4  }
0xc9: {  	[tilespmem:s18+$0x10C40] =	vst.add.f32.msk $0xffff, v63  }
0xca: {  	[tilespmem:s18+$0x10C50] =	vst.add.f32.msk $0xffff, v5  }
0xcb: {  	s3 =	sadd.s32 s15, s11;
	[tilespmem:s18+$0x10C60] =	vst.add.f32.msk $0xffff, v6;
	s18 =	simm.s32 $0x0  }
0xcc: {  	[hbm4b:s3+s18] =	stream.linear.scatter [tilespmem:s24], [sflag:$0x3], $0x1000, $0x38;
	[tilespmem:$0x19000] =	vst v63  }
0xcd: {  	s18 =	simm.s32 $0x0;
	s3 =	simm.s32 $0x200  }
.LBB2_13:
0xce: {  	p0 =	sne.s32 s3, $0x3E00;
	v0 =	vld [tilespmem:s18+$0xB870]  }
0xcf: {  	v1 =	vld [tilespmem:s18+$0xB800]  }
0xd0: {  	v2 =	vld [tilespmem:s18+$0xB810]  }
0xd1: {  	v3 =	vld [tilespmem:s18+$0xB820]  }
0xd2: {  	v4 =	vld [tilespmem:s18+$0xB830]  }
0xd3: {  	[tilespmem:s18+$0x11C70] =	vst.add.f32.msk $0xffff, v0  }
0xd4: {  	v0 =	vld [tilespmem:s18+$0xB840]  }
0xd5: {  	v5 =	vld [tilespmem:s18+$0xB850]  }
0xd6: {  	v6 =	vld [tilespmem:s18+$0xB860]  }
0xd7: {  	[tilespmem:s18+$0x11C00] =	vst.add.f32.msk $0xffff, v1  }
0xd8: {  	[tilespmem:s18+$0x11C10] =	vst.add.f32.msk $0xffff, v2  }
.Ltmp5:
0xd9: {  	[tilespmem:s18+$0x11C20] =	vst.add.f32.msk $0xffff, v3;
	(pc) =	sbr.rel @p0 .LBB2_13-.Ltmp5, $4  }
0xda: {  	[tilespmem:s18+$0x11C30] =	vst.add.f32.msk $0xffff, v4  }
0xdb: {  	[tilespmem:s18+$0x11C40] =	vst.add.f32.msk $0xffff, v0  }
0xdc: {  	[tilespmem:s18+$0x11C50] =	vst.add.f32.msk $0xffff, v5  }
0xdd: {  	[tilespmem:s18+$0x11C60] =	vst.add.f32.msk $0xffff, v6;
	s18 =	sshra.s32 s3, $0x2;
	s3 =	sadd.s32 $0x200, s3  }
0xde: {  	v0 =	vld [tilespmem:s18+$0xB870]  }
0xdf: {  	v1 =	vld [tilespmem:s18+$0xB800]  }
0xe0: {  	v2 =	vld [tilespmem:s18+$0xB810]  }
0xe1: {  	v3 =	vld [tilespmem:s18+$0xB820]  }
0xe2: {  	v4 =	vld [tilespmem:s18+$0xB830]  }
0xe3: {  	v63 =	vld [tilespmem:s18+$0xB840]  }
0xe4: {  	v5 =	vld [tilespmem:s18+$0xB850]  }
0xe5: {  	v6 =	vld [tilespmem:s18+$0xB860]  }
0xe6: {  	[tilespmem:s18+$0x11C70] =	vst.add.f32.msk $0xffff, v0  }
0xe7: {  	[tilespmem:s18+$0x11C00] =	vst.add.f32.msk $0xffff, v1  }
0xe8: {  	[tilespmem:s18+$0x11C10] =	vst.add.f32.msk $0xffff, v2  }
0xe9: {  	[tilespmem:s18+$0x11C20] =	vst.add.f32.msk $0xffff, v3  }
0xea: {  	[tilespmem:s18+$0x11C30] =	vst.add.f32.msk $0xffff, v4  }
0xeb: {  	[tilespmem:s18+$0x11C40] =	vst.add.f32.msk $0xffff, v63  }
0xec: {  	[tilespmem:s18+$0x11C50] =	vst.add.f32.msk $0xffff, v5  }
0xed: {  	s3 =	sadd.s32 s15, s12;
	p0 =	seq.s32 s7, $0x3F;
	[tilespmem:s18+$0x11C60] =	vst.add.f32.msk $0xffff, v6  }
0xee: {  	[hbm4b:s3+s6] =	stream.linear.scatter [tilespmem:s25], [sflag:$0x3], $0x1000, $0x38;
	[tilespmem:$0x19000] =	vst v63  }
0xef: {  	s3 =	smul.u32 @!p0 $0x640, s7  }
0xf0: {  	_ =	swait.ge [sflag:s26], $0x6400  }
0xf1: {  	s15 =	simm.s32 @!p0 $0xC8;
	[sflag:s26] =	ssyncset.done $0x0;
	s3 =	sshra.s32 @!p0 s3, $0x2  }
0xf2: {  	s18 =	simm.s32 @!p0 $0xC800;
	[sflag:s26] =	ssyncadd.s32 $0xFFFF9C00;
	s3 =	sadd.s32 @!p0 $0x190, s3  }
0xf3: {  	[tilespmem:s18], [sflag:$0x1] =	stream.indirect.gather @!p0 [hbm4b:s1+s15], $0x80, s3, s15, $0xb8;
	[tilespmem:$0x19000] =	vst v63  }
0xf4: {  	_ =	swait.ge [sflag:s28], $0x6400  }
0xf5: {  	[sflag:s28] =	ssyncset.done $0x0  }
0xf6: {  	s15 =	simm.s32 $0x0;
	s3 =	simm.s32 $0x200;
	[sflag:s28] =	ssyncadd.s32 $0xFFFF9C00  }
.LBB2_15:
0xf7: {  	p0 =	sne.s32 s3, $0x4E00;
	v0 =	vld [tilespmem:s15+$0x6470]  }
0xf8: {  	v1 =	vld [tilespmem:s15+$0x6400]  }
0xf9: {  	v2 =	vld [tilespmem:s15+$0x6410]  }
0xfa: {  	v3 =	vld [tilespmem:s15+$0x6420]  }
0xfb: {  	v4 =	vld [tilespmem:s15+$0x6430]  }
0xfc: {  	[tilespmem:s15+$0x12C70] =	vst.add.f32.msk $0xffff, v0  }
0xfd: {  	v0 =	vld [tilespmem:s15+$0x6440]  }
0xfe: {  	v5 =	vld [tilespmem:s15+$0x6450]  }
0xff: {  	v6 =	vld [tilespmem:s15+$0x6460]  }
0x100: {  	[tilespmem:s15+$0x12C00] =	vst.add.f32.msk $0xffff, v1  }
0x101: {  	[tilespmem:s15+$0x12C10] =	vst.add.f32.msk $0xffff, v2  }
.Ltmp6:
0x102: {  	[tilespmem:s15+$0x12C20] =	vst.add.f32.msk $0xffff, v3;
	(pc) =	sbr.rel @p0 .LBB2_15-.Ltmp6, $4  }
0x103: {  	[tilespmem:s15+$0x12C30] =	vst.add.f32.msk $0xffff, v4  }
0x104: {  	[tilespmem:s15+$0x12C40] =	vst.add.f32.msk $0xffff, v0  }
0x105: {  	[tilespmem:s15+$0x12C50] =	vst.add.f32.msk $0xffff, v5  }
0x106: {  	[tilespmem:s15+$0x12C60] =	vst.add.f32.msk $0xffff, v6;
	s15 =	sshra.s32 s3, $0x2;
	s3 =	sadd.s32 $0x200, s3  }
0x107: {  	v0 =	vld [tilespmem:s15+$0x6470]  }
0x108: {  	v1 =	vld [tilespmem:s15+$0x6400]  }
0x109: {  	v2 =	vld [tilespmem:s15+$0x6410]  }
0x10a: {  	v3 =	vld [tilespmem:s15+$0x6420]  }
0x10b: {  	v4 =	vld [tilespmem:s15+$0x6430]  }
0x10c: {  	v63 =	vld [tilespmem:s15+$0x6440]  }
0x10d: {  	v5 =	vld [tilespmem:s15+$0x6450]  }
0x10e: {  	v6 =	vld [tilespmem:s15+$0x6460]  }
0x10f: {  	[tilespmem:s15+$0x12C70] =	vst.add.f32.msk $0xffff, v0  }
0x110: {  	[tilespmem:s15+$0x12C00] =	vst.add.f32.msk $0xffff, v1  }
0x111: {  	[tilespmem:s15+$0x12C10] =	vst.add.f32.msk $0xffff, v2  }
0x112: {  	s3 =	smul.u32 $0xC8, s13;
	[tilespmem:s15+$0x12C20] =	vst.add.f32.msk $0xffff, v3  }
0x113: {  	[tilespmem:s15+$0x12C30] =	vst.add.f32.msk $0xffff, v4  }
0x114: {  	s3 =	sadd.s32 s5, s3;
	[tilespmem:s15+$0x12C40] =	vst.add.f32.msk $0xffff, v63  }
0x115: {  	s13 =	sshll.u32 s3, $0x4;
	[tilespmem:s15+$0x12C50] =	vst.add.f32.msk $0xffff, v5  }
0x116: {  	s18 =	simm.s32 $0x0;
	s3 =	sadd.s32 s4, s13;
	[tilespmem:s15+$0x12C60] =	vst.add.f32.msk $0xffff, v6  }
0x117: {  	[hbm4b:s3+s18] =	stream.linear.scatter [tilespmem:s19], [sflag:$0x4], $0x1400, $0x38;
	[tilespmem:$0x19000] =	vst v63  }
0x118: {  	s15 =	simm.s32 $0x0;
	s3 =	simm.s32 $0x200  }
.LBB2_17:
0x119: {  	p0 =	sne.s32 s3, $0x3E00;
	v0 =	vld [tilespmem:s15+$0x7870]  }
0x11a: {  	v1 =	vld [tilespmem:s15+$0x7800]  }
0x11b: {  	v2 =	vld [tilespmem:s15+$0x7810]  }
0x11c: {  	v3 =	vld [tilespmem:s15+$0x7820]  }
0x11d: {  	v4 =	vld [tilespmem:s15+$0x7830]  }
0x11e: {  	[tilespmem:s15+$0x14070] =	vst.add.f32.msk $0xffff, v0  }
0x11f: {  	v0 =	vld [tilespmem:s15+$0x7840]  }
0x120: {  	v5 =	vld [tilespmem:s15+$0x7850]  }
0x121: {  	v6 =	vld [tilespmem:s15+$0x7860]  }
0x122: {  	[tilespmem:s15+$0x14000] =	vst.add.f32.msk $0xffff, v1  }
0x123: {  	[tilespmem:s15+$0x14010] =	vst.add.f32.msk $0xffff, v2  }
.Ltmp7:
0x124: {  	[tilespmem:s15+$0x14020] =	vst.add.f32.msk $0xffff, v3;
	(pc) =	sbr.rel @p0 .LBB2_17-.Ltmp7, $4  }
0x125: {  	[tilespmem:s15+$0x14030] =	vst.add.f32.msk $0xffff, v4  }
0x126: {  	[tilespmem:s15+$0x14040] =	vst.add.f32.msk $0xffff, v0  }
0x127: {  	[tilespmem:s15+$0x14050] =	vst.add.f32.msk $0xffff, v5  }
0x128: {  	[tilespmem:s15+$0x14060] =	vst.add.f32.msk $0xffff, v6;
	s15 =	sshra.s32 s3, $0x2;
	s3 =	sadd.s32 $0x200, s3  }
0x129: {  	v0 =	vld [tilespmem:s15+$0x7870]  }
0x12a: {  	v1 =	vld [tilespmem:s15+$0x7800]  }
0x12b: {  	v2 =	vld [tilespmem:s15+$0x7810]  }
0x12c: {  	v3 =	vld [tilespmem:s15+$0x7820]  }
0x12d: {  	v4 =	vld [tilespmem:s15+$0x7830]  }
0x12e: {  	v63 =	vld [tilespmem:s15+$0x7840]  }
0x12f: {  	v5 =	vld [tilespmem:s15+$0x7850]  }
0x130: {  	v6 =	vld [tilespmem:s15+$0x7860]  }
0x131: {  	[tilespmem:s15+$0x14070] =	vst.add.f32.msk $0xffff, v0  }
0x132: {  	[tilespmem:s15+$0x14000] =	vst.add.f32.msk $0xffff, v1  }
0x133: {  	[tilespmem:s15+$0x14010] =	vst.add.f32.msk $0xffff, v2  }
0x134: {  	[tilespmem:s15+$0x14020] =	vst.add.f32.msk $0xffff, v3  }
0x135: {  	[tilespmem:s15+$0x14030] =	vst.add.f32.msk $0xffff, v4  }
0x136: {  	[tilespmem:s15+$0x14040] =	vst.add.f32.msk $0xffff, v63  }
0x137: {  	[tilespmem:s15+$0x14050] =	vst.add.f32.msk $0xffff, v5  }
0x138: {  	s3 =	sadd.s32 s13, s8;
	s18 =	simm.s32 $0x0;
	[tilespmem:s15+$0x14060] =	vst.add.f32.msk $0xffff, v6  }
0x139: {  	[hbm4b:s3+s18] =	stream.linear.scatter [tilespmem:s29], [sflag:$0x4], $0x1000, $0x38;
	[tilespmem:$0x19000] =	vst v63  }
0x13a: {  	s15 =	simm.s32 $0x0;
	s3 =	simm.s32 $0x200  }
.LBB2_19:
0x13b: {  	p0 =	sne.s32 s3, $0x3E00;
	v0 =	vld [tilespmem:s15+$0x8870]  }
0x13c: {  	v1 =	vld [tilespmem:s15+$0x8800]  }
0x13d: {  	v2 =	vld [tilespmem:s15+$0x8810]  }
0x13e: {  	v3 =	vld [tilespmem:s15+$0x8820]  }
0x13f: {  	v4 =	vld [tilespmem:s15+$0x8830]  }
0x140: {  	[tilespmem:s15+$0x15070] =	vst.add.f32.msk $0xffff, v0  }
0x141: {  	v0 =	vld [tilespmem:s15+$0x8840]  }
0x142: {  	v5 =	vld [tilespmem:s15+$0x8850]  }
0x143: {  	v6 =	vld [tilespmem:s15+$0x8860]  }
0x144: {  	[tilespmem:s15+$0x15000] =	vst.add.f32.msk $0xffff, v1  }
0x145: {  	[tilespmem:s15+$0x15010] =	vst.add.f32.msk $0xffff, v2  }
.Ltmp8:
0x146: {  	[tilespmem:s15+$0x15020] =	vst.add.f32.msk $0xffff, v3;
	(pc) =	sbr.rel @p0 .LBB2_19-.Ltmp8, $4  }
0x147: {  	[tilespmem:s15+$0x15030] =	vst.add.f32.msk $0xffff, v4  }
0x148: {  	[tilespmem:s15+$0x15040] =	vst.add.f32.msk $0xffff, v0  }
0x149: {  	[tilespmem:s15+$0x15050] =	vst.add.f32.msk $0xffff, v5  }
0x14a: {  	[tilespmem:s15+$0x15060] =	vst.add.f32.msk $0xffff, v6;
	s15 =	sshra.s32 s3, $0x2;
	s3 =	sadd.s32 $0x200, s3  }
0x14b: {  	v0 =	vld [tilespmem:s15+$0x8870]  }
0x14c: {  	v1 =	vld [tilespmem:s15+$0x8800]  }
0x14d: {  	v2 =	vld [tilespmem:s15+$0x8810]  }
0x14e: {  	v3 =	vld [tilespmem:s15+$0x8820]  }
0x14f: {  	v4 =	vld [tilespmem:s15+$0x8830]  }
0x150: {  	v63 =	vld [tilespmem:s15+$0x8840]  }
0x151: {  	v5 =	vld [tilespmem:s15+$0x8850]  }
0x152: {  	v6 =	vld [tilespmem:s15+$0x8860]  }
0x153: {  	[tilespmem:s15+$0x15070] =	vst.add.f32.msk $0xffff, v0  }
0x154: {  	[tilespmem:s15+$0x15000] =	vst.add.f32.msk $0xffff, v1  }
0x155: {  	[tilespmem:s15+$0x15010] =	vst.add.f32.msk $0xffff, v2  }
0x156: {  	[tilespmem:s15+$0x15020] =	vst.add.f32.msk $0xffff, v3  }
0x157: {  	[tilespmem:s15+$0x15030] =	vst.add.f32.msk $0xffff, v4  }
0x158: {  	[tilespmem:s15+$0x15040] =	vst.add.f32.msk $0xffff, v63  }
0x159: {  	[tilespmem:s15+$0x15050] =	vst.add.f32.msk $0xffff, v5  }
0x15a: {  	s3 =	sadd.s32 s13, s9;
	s18 =	simm.s32 $0x0;
	[tilespmem:s15+$0x15060] =	vst.add.f32.msk $0xffff, v6  }
0x15b: {  	[hbm4b:s3+s18] =	stream.linear.scatter [tilespmem:s30], [sflag:$0x4], $0x1000, $0x38;
	[tilespmem:$0x19000] =	vst v63  }
0x15c: {  	s15 =	simm.s32 $0x0;
	s3 =	simm.s32 $0x200  }
.LBB2_21:
0x15d: {  	p0 =	sne.s32 s3, $0x3E00;
	v0 =	vld [tilespmem:s15+$0x9870]  }
0x15e: {  	v1 =	vld [tilespmem:s15+$0x9800]  }
0x15f: {  	v2 =	vld [tilespmem:s15+$0x9810]  }
0x160: {  	v3 =	vld [tilespmem:s15+$0x9820]  }
0x161: {  	v4 =	vld [tilespmem:s15+$0x9830]  }
0x162: {  	[tilespmem:s15+$0x16070] =	vst.add.f32.msk $0xffff, v0  }
0x163: {  	v0 =	vld [tilespmem:s15+$0x9840]  }
0x164: {  	v5 =	vld [tilespmem:s15+$0x9850]  }
0x165: {  	v6 =	vld [tilespmem:s15+$0x9860]  }
0x166: {  	[tilespmem:s15+$0x16000] =	vst.add.f32.msk $0xffff, v1  }
0x167: {  	[tilespmem:s15+$0x16010] =	vst.add.f32.msk $0xffff, v2  }
.Ltmp9:
0x168: {  	[tilespmem:s15+$0x16020] =	vst.add.f32.msk $0xffff, v3;
	(pc) =	sbr.rel @p0 .LBB2_21-.Ltmp9, $4  }
0x169: {  	[tilespmem:s15+$0x16030] =	vst.add.f32.msk $0xffff, v4  }
0x16a: {  	[tilespmem:s15+$0x16040] =	vst.add.f32.msk $0xffff, v0  }
0x16b: {  	[tilespmem:s15+$0x16050] =	vst.add.f32.msk $0xffff, v5  }
0x16c: {  	[tilespmem:s15+$0x16060] =	vst.add.f32.msk $0xffff, v6;
	s15 =	sshra.s32 s3, $0x2;
	s3 =	sadd.s32 $0x200, s3  }
0x16d: {  	v0 =	vld [tilespmem:s15+$0x9870]  }
0x16e: {  	v1 =	vld [tilespmem:s15+$0x9800]  }
0x16f: {  	v2 =	vld [tilespmem:s15+$0x9810]  }
0x170: {  	v3 =	vld [tilespmem:s15+$0x9820]  }
0x171: {  	v4 =	vld [tilespmem:s15+$0x9830]  }
0x172: {  	v63 =	vld [tilespmem:s15+$0x9840]  }
0x173: {  	v5 =	vld [tilespmem:s15+$0x9850]  }
0x174: {  	v6 =	vld [tilespmem:s15+$0x9860]  }
0x175: {  	[tilespmem:s15+$0x16070] =	vst.add.f32.msk $0xffff, v0  }
0x176: {  	[tilespmem:s15+$0x16000] =	vst.add.f32.msk $0xffff, v1  }
0x177: {  	[tilespmem:s15+$0x16010] =	vst.add.f32.msk $0xffff, v2  }
0x178: {  	[tilespmem:s15+$0x16020] =	vst.add.f32.msk $0xffff, v3  }
0x179: {  	[tilespmem:s15+$0x16030] =	vst.add.f32.msk $0xffff, v4  }
0x17a: {  	[tilespmem:s15+$0x16040] =	vst.add.f32.msk $0xffff, v63  }
0x17b: {  	[tilespmem:s15+$0x16050] =	vst.add.f32.msk $0xffff, v5  }
0x17c: {  	s3 =	sadd.s32 s13, s10;
	s18 =	simm.s32 $0x0;
	[tilespmem:s15+$0x16060] =	vst.add.f32.msk $0xffff, v6  }
0x17d: {  	[hbm4b:s3+s18] =	stream.linear.scatter [tilespmem:s31], [sflag:$0x4], $0x1000, $0x38;
	[tilespmem:$0x19000] =	vst v63  }
0x17e: {  	s15 =	simm.s32 $0x0;
	s3 =	simm.s32 $0x200  }
.LBB2_23:
0x17f: {  	p0 =	sne.s32 s3, $0x3E00;
	v0 =	vld [tilespmem:s15+$0xA870]  }
0x180: {  	v1 =	vld [tilespmem:s15+$0xA800]  }
0x181: {  	v2 =	vld [tilespmem:s15+$0xA810]  }
0x182: {  	v3 =	vld [tilespmem:s15+$0xA820]  }
0x183: {  	v4 =	vld [tilespmem:s15+$0xA830]  }
0x184: {  	[tilespmem:s15+$0x17070] =	vst.add.f32.msk $0xffff, v0  }
0x185: {  	v0 =	vld [tilespmem:s15+$0xA840]  }
0x186: {  	v5 =	vld [tilespmem:s15+$0xA850]  }
0x187: {  	v6 =	vld [tilespmem:s15+$0xA860]  }
0x188: {  	[tilespmem:s15+$0x17000] =	vst.add.f32.msk $0xffff, v1  }
0x189: {  	[tilespmem:s15+$0x17010] =	vst.add.f32.msk $0xffff, v2  }
.Ltmp10:
0x18a: {  	[tilespmem:s15+$0x17020] =	vst.add.f32.msk $0xffff, v3;
	(pc) =	sbr.rel @p0 .LBB2_23-.Ltmp10, $4  }
0x18b: {  	[tilespmem:s15+$0x17030] =	vst.add.f32.msk $0xffff, v4  }
0x18c: {  	[tilespmem:s15+$0x17040] =	vst.add.f32.msk $0xffff, v0  }
0x18d: {  	[tilespmem:s15+$0x17050] =	vst.add.f32.msk $0xffff, v5  }
0x18e: {  	[tilespmem:s15+$0x17060] =	vst.add.f32.msk $0xffff, v6;
	s15 =	sshra.s32 s3, $0x2;
	s3 =	sadd.s32 $0x200, s3  }
0x18f: {  	v0 =	vld [tilespmem:s15+$0xA870]  }
0x190: {  	v1 =	vld [tilespmem:s15+$0xA800]  }
0x191: {  	v2 =	vld [tilespmem:s15+$0xA810]  }
0x192: {  	v3 =	vld [tilespmem:s15+$0xA820]  }
0x193: {  	v4 =	vld [tilespmem:s15+$0xA830]  }
0x194: {  	v63 =	vld [tilespmem:s15+$0xA840]  }
0x195: {  	v5 =	vld [tilespmem:s15+$0xA850]  }
0x196: {  	v6 =	vld [tilespmem:s15+$0xA860]  }
0x197: {  	[tilespmem:s15+$0x17070] =	vst.add.f32.msk $0xffff, v0  }
0x198: {  	[tilespmem:s15+$0x17000] =	vst.add.f32.msk $0xffff, v1  }
0x199: {  	[tilespmem:s15+$0x17010] =	vst.add.f32.msk $0xffff, v2  }
0x19a: {  	[tilespmem:s15+$0x17020] =	vst.add.f32.msk $0xffff, v3  }
0x19b: {  	[tilespmem:s15+$0x17030] =	vst.add.f32.msk $0xffff, v4  }
0x19c: {  	[tilespmem:s15+$0x17040] =	vst.add.f32.msk $0xffff, v63  }
0x19d: {  	[tilespmem:s15+$0x17050] =	vst.add.f32.msk $0xffff, v5  }
0x19e: {  	s3 =	sadd.s32 s13, s11;
	s18 =	simm.s32 $0x0;
	[tilespmem:s15+$0x17060] =	vst.add.f32.msk $0xffff, v6  }
0x19f: {  	[hbm4b:s3+s18] =	stream.linear.scatter [tilespmem:s2], [sflag:$0x4], $0x1000, $0x38;
	[tilespmem:$0x19000] =	vst v63  }
0x1a0: {  	s15 =	simm.s32 $0x0;
	s3 =	simm.s32 $0x200  }
.LBB2_25:
0x1a1: {  	p0 =	sne.s32 s3, $0x3E00;
	v0 =	vld [tilespmem:s15+$0xB870]  }
0x1a2: {  	v1 =	vld [tilespmem:s15+$0xB800]  }
0x1a3: {  	v2 =	vld [tilespmem:s15+$0xB810]  }
0x1a4: {  	v3 =	vld [tilespmem:s15+$0xB820]  }
0x1a5: {  	v4 =	vld [tilespmem:s15+$0xB830]  }
0x1a6: {  	[tilespmem:s15+$0x18070] =	vst.add.f32.msk $0xffff, v0  }
0x1a7: {  	v0 =	vld [tilespmem:s15+$0xB840]  }
0x1a8: {  	v5 =	vld [tilespmem:s15+$0xB850]  }
0x1a9: {  	v6 =	vld [tilespmem:s15+$0xB860]  }
0x1aa: {  	[tilespmem:s15+$0x18000] =	vst.add.f32.msk $0xffff, v1  }
0x1ab: {  	[tilespmem:s15+$0x18010] =	vst.add.f32.msk $0xffff, v2  }
.Ltmp11:
0x1ac: {  	[tilespmem:s15+$0x18020] =	vst.add.f32.msk $0xffff, v3;
	(pc) =	sbr.rel @p0 .LBB2_25-.Ltmp11, $4  }
0x1ad: {  	[tilespmem:s15+$0x18030] =	vst.add.f32.msk $0xffff, v4  }
0x1ae: {  	[tilespmem:s15+$0x18040] =	vst.add.f32.msk $0xffff, v0  }
0x1af: {  	[tilespmem:s15+$0x18050] =	vst.add.f32.msk $0xffff, v5  }
0x1b0: {  	[tilespmem:s15+$0x18060] =	vst.add.f32.msk $0xffff, v6;
	s15 =	sshra.s32 s3, $0x2;
	s3 =	sadd.s32 $0x200, s3  }
0x1b1: {  	v0 =	vld [tilespmem:s15+$0xB870]  }
0x1b2: {  	v1 =	vld [tilespmem:s15+$0xB800]  }
0x1b3: {  	v2 =	vld [tilespmem:s15+$0xB810]  }
0x1b4: {  	v3 =	vld [tilespmem:s15+$0xB820]  }
0x1b5: {  	v4 =	vld [tilespmem:s15+$0xB830]  }
0x1b6: {  	v63 =	vld [tilespmem:s15+$0xB840]  }
0x1b7: {  	v5 =	vld [tilespmem:s15+$0xB850]  }
0x1b8: {  	v6 =	vld [tilespmem:s15+$0xB860]  }
0x1b9: {  	[tilespmem:s15+$0x18070] =	vst.add.f32.msk $0xffff, v0  }
0x1ba: {  	[tilespmem:s15+$0x18000] =	vst.add.f32.msk $0xffff, v1  }
0x1bb: {  	s7 =	sadd.s32 $0x1, s7;
	[tilespmem:s15+$0x18010] =	vst.add.f32.msk $0xffff, v2  }
0x1bc: {  	p0 =	sne.s32 s7, $0x40;
	[tilespmem:s15+$0x18020] =	vst.add.f32.msk $0xffff, v3  }
.Ltmp12:
0x1bd: {  	[tilespmem:s15+$0x18030] =	vst.add.f32.msk $0xffff, v4;
	(pc) =	sbr.rel @p0 .LBB2_2-.Ltmp12, $4  }
0x1be: {  	[tilespmem:s15+$0x18040] =	vst.add.f32.msk $0xffff, v63  }
0x1bf: {  	[tilespmem:s15+$0x18050] =	vst.add.f32.msk $0xffff, v5  }
0x1c0: {  	s3 =	sadd.s32 s13, s12;
	[tilespmem:s15+$0x18060] =	vst.add.f32.msk $0xffff, v6  }
0x1c1: {  	[hbm4b:s3+s6] =	stream.linear.scatter [tilespmem:s0], [sflag:$0x4], $0x1000, $0x38;
	[tilespmem:$0x19000] =	vst v63  }
0x1c2: {  	s7 =	simm.s32 $0x4  }
0x1c3: {  	_ =	swait.ge [sflag:s7], $0x6400  }
0x1c4: {  	s14 =	sadd.s32 $0x1, s14;
	s3 =	rddreg [dreg:$0x6]  }
0x1c5: {  	p0 =	sne.s32 s14, s3  }
.Ltmp13:
0x1c6: {  	_ = 	snop;
	(pc) =	sbr.rel @p0 .LBB2_1-.Ltmp13, $3  }
0x1c7: {  	_ =	sdelay $0x1  }
0x1c8: {  	[sflag:s7] =	ssyncset.done $0x0  }
0x1c9: {  	[sflag:s7] =	ssyncadd.s32 $0xFFFF9C00  }
0x1ca: {  	_ =	sfence.sel $0x180000  }
0x1cb: {  	[bflag:$0x0] =	sbarrier.arrive $0xFFFF  }
0x1cc: {  	_ =	strace $0x90000047  }
0x1cd: {  	s0 =	stileid.u32;
	[bflag:$0x2] =	sbarrier.arrive $0xFFFF  }
0x1ce: {  	p0 =	sne.s32 s0, $0x0;
	s0 =	rddreg [dreg:$0x4]  }
0x1cf: {  	s0 =	sadd.s32 @!p0 $0x100000, s0  }
0x1d0: {  	[sflag:s0] =	ssyncadd.tile.s32 @!p0 $0x1;
	_ =	shalt  }
.Lfunc_end2:
_tile_overlayer_lowered:
.L_overlay_start_2:
0x1d1: {  	(tag) =	ssettag $0x2  }
0x1d2: {  	s0 =	rddreg [dreg:$0x0];
	s2 =	stileid.u32  }
0x1d3: {  	s1 =	rddreg [dreg:$0x1];
	p0 =	sne.s32 s2, $0x0  }
0x1d4: {  	s3 =	rddreg [dreg:$0x2];
	[bflag:$0x3] =	sbarrier.arrive $0xFFFF;
	s2 =	simm.s32 @!p0 $0x1C07  }
0x1d5: {  	[timem:s3], [sflag:s2] =	dma.local @!p0 [hbm:s0], s1  }
0x1d6: {  	s0 =	simm.s32 @!p0 $0x7  }
0x1d7: {  	_ =	swait.ge @!p0 [sflag:s0], s1  }
0x1d8: {  	s1 =	ssub.s32 @!p0 $0x0, s1;
	[sflag:s0] =	ssyncset.done @!p0 $0x0  }
0x1d9: {  	[sflag:s0] =	ssyncadd.s32 @!p0 s1  }
0x1da: {  	[bflag:$0x3] =	sbarrier.arrive $0xFFFF  }
0x1db: {  	_ =	shalt  }

</sc_bundles>
